<compile_context>
chip_gen: v7x
topology: tpu7x:2x2x1
jax: 0.10.2.dev20260603
libtpu: 0.0.44.dev20260713+nightly
codegen_flags: <defaults>
</compile_context>

<pallas_src>
import functools

import jax
import jax.numpy as jnp
from jax import lax
from jax.experimental import pallas as pl
from jax.experimental.pallas import tpu as pltpu
from jax.experimental.pallas import tpu_sc as plsc

BATCH = 4096
SEQ = 200
DIMS = 64
LANES = 16
NW = 32
B_PER_W = BATCH // NW
SB = 2
NBUF = 2
NBLOCKS = SEQ // SB
ROWS_PER_BLOCK = SB * B_PER_W


def _suffix_embed_kernel(x_hbm, pe_hbm, out_hbm, x_v, idx_v, pe_v,
                         buf0, buf1, wsem0, wsem1):
    wid = lax.axis_index("s") * 2 + lax.axis_index("c")
    b_base = wid * B_PER_W

    pltpu.sync_copy(x_hbm.at[pl.ds(b_base * SEQ, B_PER_W * SEQ)], x_v)
    pltpu.sync_copy(pe_hbm, pe_v)

    iota = lax.iota(jnp.int32, LANES)
    one = jnp.ones((LANES,), jnp.int32)
    zero = jnp.zeros((LANES,), jnp.int32)

    row_bases = [(g * LANES + iota) * SEQ for g in range(B_PER_W // LANES)]

    def scan_body(i, accs):
        s = SEQ - 1 - i
        out_accs = []
        for g, acc in enumerate(accs):
            col = plsc.load_gather(x_v, [row_bases[g] + s])
            acc = acc + jnp.where(col != 0, one, zero)
            idx_v[pl.ds(s * B_PER_W + g * LANES, LANES)] = acc
            out_accs.append(acc)
        return tuple(out_accs)

    lax.fori_loop(0, SEQ, scan_body, tuple(zero for _ in range(B_PER_W // LANES)))

    bufs = (buf0, buf1)
    wsems = (wsem0, wsem1)
    d_iotas = [iota + k * LANES for k in range(DIMS // LANES)]

    def write_block(i, b, wait):
        for k in range(SB):
            cp = pltpu.make_async_copy(
                bufs[b].at[pl.ds(k * B_PER_W, B_PER_W), :],
                out_hbm.at[pl.ds((i * SB + k) * BATCH + b_base, B_PER_W), :],
                wsems[b],
            )
            if wait:
                cp.wait()
            else:
                cp.start()

    def fill_block(i, b):
        buf = bufs[b]

        def grp_body(g16, carry, buf=buf, i=i):
            base = g16 * LANES
            T = idx_v[pl.ds(i * ROWS_PER_BLOCK + base, LANES)] * DIMS
            for q in range(LANES // 4):
                gs = []
                for l in range(q * 4, q * 4 + 4):
                    t64 = T[l]
                    gs.append([plsc.load_gather(pe_v, [t64 + d_iotas[k]])
                               for k in range(DIMS // LANES)])
                for li, l in enumerate(range(q * 4, q * 4 + 4)):
                    for k in range(DIMS // LANES):
                        buf[base + l, pl.ds(k * LANES, LANES)] = gs[li][k]
            return carry

        lax.fori_loop(0, ROWS_PER_BLOCK // LANES, grp_body, 0)

    def outer(o, carry):
        j = o * NBUF
        for b in range(NBUF):
            i = j + b

            @pl.when(o > 0)
            def _(b=b, i=i):
                write_block(i - NBUF, b, wait=True)

            fill_block(i, b)
            write_block(i, b, wait=False)
        return carry

    lax.fori_loop(0, NBLOCKS // NBUF, outer, 0)

    for b in range(NBUF):
        write_block(NBLOCKS - NBUF + b, b, wait=True)


@jax.jit
def kernel(x, pe):
    mesh = plsc.VectorSubcoreMesh(core_axis_name="c", subcore_axis_name="s")
    fn = functools.partial(
        pl.kernel,
        mesh=mesh,
        compiler_params=pltpu.CompilerParams(
            needs_layout_passes=False, use_tc_tiling_on_sc=False
        ),
        out_type=jax.ShapeDtypeStruct((SEQ * BATCH, DIMS), jnp.float32),
        scratch_types=[
            pltpu.VMEM((B_PER_W * SEQ,), jnp.int32),
            pltpu.VMEM((SEQ * B_PER_W,), jnp.int32),
            pltpu.VMEM((256 * DIMS,), jnp.float32),
            pltpu.VMEM((ROWS_PER_BLOCK, DIMS), jnp.float32),
            pltpu.VMEM((ROWS_PER_BLOCK, DIMS), jnp.float32),
            pltpu.SemaphoreType.DMA,
            pltpu.SemaphoreType.DMA,
        ],
    )(_suffix_embed_kernel)
    return fn(x.reshape(-1), pe.reshape(-1)).reshape(SEQ, BATCH, DIMS)

# --- scband reference (transcript-rebuilt; emitter-appended) ---
"""Pipeline reference for scband-seq-positional-embed-12326556139536 (READ-ONLY COPY).

The authoritative reference and input builder live on the scoring server;
editing this copy changes nothing except your own understanding.
"""

import math
import jax, jax.numpy as jnp
import numpy as np

DIMS_ADD = 64
MAX_LEN = 256
INVERTED = True
BATCH = 4096
SEQ = 200


def make_pe():
    position = np.arange(MAX_LEN, dtype=np.float32)[:, None]
    div_term_enum = np.arange(0, DIMS_ADD, 2, dtype=np.float32)
    div_term_denom = -math.log(10000.0) / DIMS_ADD + 1
    div_term = np.exp(div_term_enum * div_term_denom)
    pe = np.zeros((MAX_LEN, DIMS_ADD), dtype=np.float32)
    pe[:, 0::2] = np.sin(position * div_term)
    pe[:, 1::2] = np.cos(position * div_term)
    pe[0, :] = 0.0
    return jnp.asarray(pe)


def setup_inputs(seed: int = 0) -> dict:
    key = jax.random.key(seed)
    x = jax.random.randint(key, (BATCH, SEQ), 0, 2, dtype=jnp.int32)
    pe = make_pe()
    return {"x": x, "pe": pe}


def reference(x, pe):
    # vals = x.bool().long()
    vals = (x != 0).astype(jnp.int32)
    if INVERTED:
        vals = jnp.flip(vals, axis=1)
    idx = jnp.cumsum(vals, axis=1)
    out = jnp.take(pe, idx, axis=0)  # gather: pe[idx]
    if INVERTED:
        out = jnp.flip(out, axis=1)
    return jnp.transpose(out, (1, 0, 2))  # [SEQ, BATCH, DIMS_ADD]

if __name__ == "__main__":
    import jax
    _d = setup_inputs()
    print(jax.jit(kernel)(*tuple(_d.values())))

</pallas_src>

<mosaic_0001>
#map = affine_map<(d0, d1) -> (0)>
#map1 = affine_map<(d0, d1) -> (0, 0)>
module attributes {stable_mosaic.version = 14 : i64} {
  func.func @_suffix_embed_kernel(%arg0: i32, %arg1: i32, %arg2: memref<819200xi32, #tpu.memory_space<hbm>>, %arg3: memref<16384xf32, #tpu.memory_space<hbm>>, %arg4: memref<819200x64xf32, #tpu.memory_space<hbm>>, %arg5: memref<25600xi32, #tpu.memory_space<vmem>>, %arg6: memref<25600xi32, #tpu.memory_space<vmem>>, %arg7: memref<16384xf32, #tpu.memory_space<vmem>>, %arg8: memref<256x64xf32, #tpu.memory_space<vmem>>, %arg9: memref<256x64xf32, #tpu.memory_space<vmem>>, %arg10: memref<!tpu.dma_semaphore, #tpu.memory_space<semaphore_mem>>, %arg11: memref<!tpu.dma_semaphore, #tpu.memory_space<semaphore_mem>>) attributes {dimension_semantics = [#tpu.dimension_semantics<core_parallel>, #tpu.dimension_semantics<subcore_parallel>], iteration_bounds = array<i64: 2, 16>, scalar_prefetch = 0 : i64, scratch_operands = 7 : i64, tpu.core_type = #tpu.core_type<sc_vector_subcore>, window_params = [{transform_indices = #map}, {transform_indices = #map}, {transform_indices = #map1}]} {
    %mul3A = arith.constant 2 : i32
    %mul3A_0 = arith.muli %arg1, %mul3A : i32
    %add3A = arith.addi %mul3A_0, %arg0 : i32
    %mul3A_1 = arith.constant 128 : i32
    %mul3A_2 = arith.muli %add3A, %mul3A_1 : i32
    %mul3A_3 = arith.constant 200 : i32
    %mul3A_4 = arith.muli %mul3A_2, %mul3A_3 : i32
    "tpu.region"() ({
      %run_scoped3A = tpu.sem_alloc : memref<!tpu.dma_semaphore, #tpu.memory_space<semaphore_mem>>
      %dma_start3A = tpu.memref_slice %arg2[%mul3A_4] : memref<819200xi32, #tpu.memory_space<hbm>> -> memref<25600xi32, #tpu.memory_space<hbm>>
      %dma_start3A_126 = tpu.memref_slice %arg2[%mul3A_4] : memref<819200xi32, #tpu.memory_space<hbm>> -> memref<25600xi32, #tpu.memory_space<hbm>>
      tpu.enqueue_dma source(%dma_start3A_126 : memref<25600xi32, #tpu.memory_space<hbm>>) target(%arg5 : memref<25600xi32, #tpu.memory_space<vmem>>) target_semaphore(%run_scoped3A : memref<!tpu.dma_semaphore, #tpu.memory_space<semaphore_mem>>)
      %dma_wait3A_127 = tpu.memref_slice %arg2[%mul3A_4] : memref<819200xi32, #tpu.memory_space<hbm>> -> memref<25600xi32, #tpu.memory_space<hbm>>
      %dma_wait3A_128 = tpu.memref_slice %arg2[%mul3A_4] : memref<819200xi32, #tpu.memory_space<hbm>> -> memref<25600xi32, #tpu.memory_space<hbm>>
      tpu.wait_dma2 semaphore(%run_scoped3A : memref<!tpu.dma_semaphore, #tpu.memory_space<semaphore_mem>>) src(%dma_wait3A_128 : memref<25600xi32, #tpu.memory_space<hbm>>) dst(%arg5 : memref<25600xi32, #tpu.memory_space<vmem>>)
      tpu.yield
    }) : () -> ()
    "tpu.region"() ({
      %run_scoped3A = tpu.sem_alloc : memref<!tpu.dma_semaphore, #tpu.memory_space<semaphore_mem>>
      tpu.enqueue_dma source(%arg3 : memref<16384xf32, #tpu.memory_space<hbm>>) target(%arg7 : memref<16384xf32, #tpu.memory_space<vmem>>) target_semaphore(%run_scoped3A : memref<!tpu.dma_semaphore, #tpu.memory_space<semaphore_mem>>)
      tpu.wait_dma2 semaphore(%run_scoped3A : memref<!tpu.dma_semaphore, #tpu.memory_space<semaphore_mem>>) src(%arg3 : memref<16384xf32, #tpu.memory_space<hbm>>) dst(%arg7 : memref<16384xf32, #tpu.memory_space<vmem>>)
      tpu.yield
    }) : () -> ()
    %iota3A = tpu.iota {dimensions = array<i32: 0>} : vector<16xi32>
    %broadcast_in_dim3A = arith.constant 1 : i32
    %broadcast_in_dim3A_5 = vector.broadcast %broadcast_in_dim3A : i32 to vector<16xi32>
    %broadcast_in_dim3A_6 = arith.constant 0 : i32
    %broadcast_in_dim3A_7 = vector.broadcast %broadcast_in_dim3A_6 : i32 to vector<16xi32>
    %add3A_8 = arith.constant 0 : i32
    %add3A_9 = vector.broadcast %add3A_8 : i32 to vector<16xi32>
    %add3A_10 = arith.addi %add3A_9, %iota3A : vector<16xi32>
    %mul3A_11 = arith.constant 200 : i32
    %mul3A_12 = vector.broadcast %mul3A_11 : i32 to vector<16xi32>
    %mul3A_13 = arith.muli %add3A_10, %mul3A_12 : vector<16xi32>
    %add3A_14 = arith.constant 16 : i32
    %add3A_15 = vector.broadcast %add3A_14 : i32 to vector<16xi32>
    %add3A_16 = arith.addi %add3A_15, %iota3A : vector<16xi32>
    %mul3A_17 = arith.constant 200 : i32
    %mul3A_18 = vector.broadcast %mul3A_17 : i32 to vector<16xi32>
    %mul3A_19 = arith.muli %add3A_16, %mul3A_18 : vector<16xi32>
    %add3A_20 = arith.constant 32 : i32
    %add3A_21 = vector.broadcast %add3A_20 : i32 to vector<16xi32>
    %add3A_22 = arith.addi %add3A_21, %iota3A : vector<16xi32>
    %mul3A_23 = arith.constant 200 : i32
    %mul3A_24 = vector.broadcast %mul3A_23 : i32 to vector<16xi32>
    %mul3A_25 = arith.muli %add3A_22, %mul3A_24 : vector<16xi32>
    %add3A_26 = arith.constant 48 : i32
    %add3A_27 = vector.broadcast %add3A_26 : i32 to vector<16xi32>
    %add3A_28 = arith.addi %add3A_27, %iota3A : vector<16xi32>
    %mul3A_29 = arith.constant 200 : i32
    %mul3A_30 = vector.broadcast %mul3A_29 : i32 to vector<16xi32>
    %mul3A_31 = arith.muli %add3A_28, %mul3A_30 : vector<16xi32>
    %add3A_32 = arith.constant 64 : i32
    %add3A_33 = vector.broadcast %add3A_32 : i32 to vector<16xi32>
    %add3A_34 = arith.addi %add3A_33, %iota3A : vector<16xi32>
    %mul3A_35 = arith.constant 200 : i32
    %mul3A_36 = vector.broadcast %mul3A_35 : i32 to vector<16xi32>
    %mul3A_37 = arith.muli %add3A_34, %mul3A_36 : vector<16xi32>
    %add3A_38 = arith.constant 80 : i32
    %add3A_39 = vector.broadcast %add3A_38 : i32 to vector<16xi32>
    %add3A_40 = arith.addi %add3A_39, %iota3A : vector<16xi32>
    %mul3A_41 = arith.constant 200 : i32
    %mul3A_42 = vector.broadcast %mul3A_41 : i32 to vector<16xi32>
    %mul3A_43 = arith.muli %add3A_40, %mul3A_42 : vector<16xi32>
    %add3A_44 = arith.constant 96 : i32
    %add3A_45 = vector.broadcast %add3A_44 : i32 to vector<16xi32>
    %add3A_46 = arith.addi %add3A_45, %iota3A : vector<16xi32>
    %mul3A_47 = arith.constant 200 : i32
    %mul3A_48 = vector.broadcast %mul3A_47 : i32 to vector<16xi32>
    %mul3A_49 = arith.muli %add3A_46, %mul3A_48 : vector<16xi32>
    %add3A_50 = arith.constant 112 : i32
    %add3A_51 = vector.broadcast %add3A_50 : i32 to vector<16xi32>
    %add3A_52 = arith.addi %add3A_51, %iota3A : vector<16xi32>
    %mul3A_53 = arith.constant 200 : i32
    %mul3A_54 = vector.broadcast %mul3A_53 : i32 to vector<16xi32>
    %mul3A_55 = arith.muli %add3A_52, %mul3A_54 : vector<16xi32>
    %scan3A = arith.constant 0 : i32
    %scan3A_56 = arith.constant 200 : i32
    %scan3A_57 = arith.addi %scan3A, %scan3A_56 : i32
    %scan3A_58 = arith.constant 1 : i32
    %scan3A_59:8 = scf.for %scan3A_126 = %scan3A to %scan3A_57 step %scan3A_58 iter_args(%scan3A_127 = %broadcast_in_dim3A_7, %scan3A_128 = %broadcast_in_dim3A_7, %scan3A_129 = %broadcast_in_dim3A_7, %scan3A_130 = %broadcast_in_dim3A_7, %scan3A_131 = %broadcast_in_dim3A_7, %scan3A_132 = %broadcast_in_dim3A_7, %scan3A_133 = %broadcast_in_dim3A_7, %scan3A_134 = %broadcast_in_dim3A_7) -> (vector<16xi32>, vector<16xi32>, vector<16xi32>, vector<16xi32>, vector<16xi32>, vector<16xi32>, vector<16xi32>, vector<16xi32>)  : i32 {
      %sub3A = arith.constant 199 : i32
      %sub3A_135 = arith.subi %sub3A, %scan3A_126 : i32
      %add3A_136 = vector.broadcast %sub3A_135 : i32 to vector<16xi32>
      %add3A_137 = arith.addi %mul3A_13, %add3A_136 : vector<16xi32>
      %gather3A = tpu.vector_load_idx %arg5[%add3A_137] : memref<25600xi32, #tpu.memory_space<vmem>>[vector<16xi32>], vector<16xi32>,
      %ne3A = arith.constant 0 : i32
      %ne3A_138 = vector.broadcast %ne3A : i32 to vector<16xi32>
      %ne3A_139 = arith.cmpi ne, %gather3A, %ne3A_138 : vector<16xi32>
      %select_n3A = arith.select %ne3A_139, %broadcast_in_dim3A_5, %broadcast_in_dim3A_7 : vector<16xi1>, vector<16xi32>
      %add3A_140 = arith.addi %scan3A_127, %select_n3A : vector<16xi32>
      %mul3A_141 = arith.constant 128 : i32
      %mul3A_142 = arith.muli %sub3A_135, %mul3A_141 : i32
      %add3A_143 = arith.constant 0 : i32
      %add3A_144 = arith.addi %mul3A_142, %add3A_143 : i32
      %swap3A = arith.index_cast %add3A_144 : i32 to index
      %swap3A_145 = tpu.vector_load %arg6[%swap3A] {strides = array<i32>} : memref<25600xi32, #tpu.memory_space<vmem>>, vector<16xi32>,
      tpu.vector_store %arg6[%swap3A], %add3A_140 {strides = array<i32>} : memref<25600xi32, #tpu.memory_space<vmem>>, vector<16xi32>,
      %add3A_146 = vector.broadcast %sub3A_135 : i32 to vector<16xi32>
      %add3A_147 = arith.addi %mul3A_19, %add3A_146 : vector<16xi32>
      %gather3A_148 = tpu.vector_load_idx %arg5[%add3A_147] : memref<25600xi32, #tpu.memory_space<vmem>>[vector<16xi32>], vector<16xi32>,
      %ne3A_149 = arith.constant 0 : i32
      %ne3A_150 = vector.broadcast %ne3A_149 : i32 to vector<16xi32>
      %ne3A_151 = arith.cmpi ne, %gather3A_148, %ne3A_150 : vector<16xi32>
      %select_n3A_152 = arith.select %ne3A_151, %broadcast_in_dim3A_5, %broadcast_in_dim3A_7 : vector<16xi1>, vector<16xi32>
      %add3A_153 = arith.addi %scan3A_128, %select_n3A_152 : vector<16xi32>
      %mul3A_154 = arith.constant 128 : i32
      %mul3A_155 = arith.muli %sub3A_135, %mul3A_154 : i32
      %add3A_156 = arith.constant 16 : i32
      %add3A_157 = arith.addi %mul3A_155, %add3A_156 : i32
      %swap3A_158 = arith.index_cast %add3A_157 : i32 to index
      %swap3A_159 = tpu.vector_load %arg6[%swap3A_158] {strides = array<i32>} : memref<25600xi32, #tpu.memory_space<vmem>>, vector<16xi32>,
      tpu.vector_store %arg6[%swap3A_158], %add3A_153 {strides = array<i32>} : memref<25600xi32, #tpu.memory_space<vmem>>, vector<16xi32>,
      %add3A_160 = vector.broadcast %sub3A_135 : i32 to vector<16xi32>
      %add3A_161 = arith.addi %mul3A_25, %add3A_160 : vector<16xi32>
      %gather3A_162 = tpu.vector_load_idx %arg5[%add3A_161] : memref<25600xi32, #tpu.memory_space<vmem>>[vector<16xi32>], vector<16xi32>,
      %ne3A_163 = arith.constant 0 : i32
      %ne3A_164 = vector.broadcast %ne3A_163 : i32 to vector<16xi32>
      %ne3A_165 = arith.cmpi ne, %gather3A_162, %ne3A_164 : vector<16xi32>
      %select_n3A_166 = arith.select %ne3A_165, %broadcast_in_dim3A_5, %broadcast_in_dim3A_7 : vector<16xi1>, vector<16xi32>
      %add3A_167 = arith.addi %scan3A_129, %select_n3A_166 : vector<16xi32>
      %mul3A_168 = arith.constant 128 : i32
      %mul3A_169 = arith.muli %sub3A_135, %mul3A_168 : i32
      %add3A_170 = arith.constant 32 : i32
      %add3A_171 = arith.addi %mul3A_169, %add3A_170 : i32
      %swap3A_172 = arith.index_cast %add3A_171 : i32 to index
      %swap3A_173 = tpu.vector_load %arg6[%swap3A_172] {strides = array<i32>} : memref<25600xi32, #tpu.memory_space<vmem>>, vector<16xi32>,
      tpu.vector_store %arg6[%swap3A_172], %add3A_167 {strides = array<i32>} : memref<25600xi32, #tpu.memory_space<vmem>>, vector<16xi32>,
      %add3A_174 = vector.broadcast %sub3A_135 : i32 to vector<16xi32>
      %add3A_175 = arith.addi %mul3A_31, %add3A_174 : vector<16xi32>
      %gather3A_176 = tpu.vector_load_idx %arg5[%add3A_175] : memref<25600xi32, #tpu.memory_space<vmem>>[vector<16xi32>], vector<16xi32>,
      %ne3A_177 = arith.constant 0 : i32
      %ne3A_178 = vector.broadcast %ne3A_177 : i32 to vector<16xi32>
      %ne3A_179 = arith.cmpi ne, %gather3A_176, %ne3A_178 : vector<16xi32>
      %select_n3A_180 = arith.select %ne3A_179, %broadcast_in_dim3A_5, %broadcast_in_dim3A_7 : vector<16xi1>, vector<16xi32>
      %add3A_181 = arith.addi %scan3A_130, %select_n3A_180 : vector<16xi32>
      %mul3A_182 = arith.constant 128 : i32
      %mul3A_183 = arith.muli %sub3A_135, %mul3A_182 : i32
      %add3A_184 = arith.constant 48 : i32
      %add3A_185 = arith.addi %mul3A_183, %add3A_184 : i32
      %swap3A_186 = arith.index_cast %add3A_185 : i32 to index
      %swap3A_187 = tpu.vector_load %arg6[%swap3A_186] {strides = array<i32>} : memref<25600xi32, #tpu.memory_space<vmem>>, vector<16xi32>,
      tpu.vector_store %arg6[%swap3A_186], %add3A_181 {strides = array<i32>} : memref<25600xi32, #tpu.memory_space<vmem>>, vector<16xi32>,
      %add3A_188 = vector.broadcast %sub3A_135 : i32 to vector<16xi32>
      %add3A_189 = arith.addi %mul3A_37, %add3A_188 : vector<16xi32>
      %gather3A_190 = tpu.vector_load_idx %arg5[%add3A_189] : memref<25600xi32, #tpu.memory_space<vmem>>[vector<16xi32>], vector<16xi32>,
      %ne3A_191 = arith.constant 0 : i32
      %ne3A_192 = vector.broadcast %ne3A_191 : i32 to vector<16xi32>
      %ne3A_193 = arith.cmpi ne, %gather3A_190, %ne3A_192 : vector<16xi32>
      %select_n3A_194 = arith.select %ne3A_193, %broadcast_in_dim3A_5, %broadcast_in_dim3A_7 : vector<16xi1>, vector<16xi32>
      %add3A_195 = arith.addi %scan3A_131, %select_n3A_194 : vector<16xi32>
      %mul3A_196 = arith.constant 128 : i32
      %mul3A_197 = arith.muli %sub3A_135, %mul3A_196 : i32
      %add3A_198 = arith.constant 64 : i32
      %add3A_199 = arith.addi %mul3A_197, %add3A_198 : i32
      %swap3A_200 = arith.index_cast %add3A_199 : i32 to index
      %swap3A_201 = tpu.vector_load %arg6[%swap3A_200] {strides = array<i32>} : memref<25600xi32, #tpu.memory_space<vmem>>, vector<16xi32>,
      tpu.vector_store %arg6[%swap3A_200], %add3A_195 {strides = array<i32>} : memref<25600xi32, #tpu.memory_space<vmem>>, vector<16xi32>,
      %add3A_202 = vector.broadcast %sub3A_135 : i32 to vector<16xi32>
      %add3A_203 = arith.addi %mul3A_43, %add3A_202 : vector<16xi32>
      %gather3A_204 = tpu.vector_load_idx %arg5[%add3A_203] : memref<25600xi32, #tpu.memory_space<vmem>>[vector<16xi32>], vector<16xi32>,
      %ne3A_205 = arith.constant 0 : i32
      %ne3A_206 = vector.broadcast %ne3A_205 : i32 to vector<16xi32>
      %ne3A_207 = arith.cmpi ne, %gather3A_204, %ne3A_206 : vector<16xi32>
      %select_n3A_208 = arith.select %ne3A_207, %broadcast_in_dim3A_5, %broadcast_in_dim3A_7 : vector<16xi1>, vector<16xi32>
      %add3A_209 = arith.addi %scan3A_132, %select_n3A_208 : vector<16xi32>
      %mul3A_210 = arith.constant 128 : i32
      %mul3A_211 = arith.muli %sub3A_135, %mul3A_210 : i32
      %add3A_212 = arith.constant 80 : i32
      %add3A_213 = arith.addi %mul3A_211, %add3A_212 : i32
      %swap3A_214 = arith.index_cast %add3A_213 : i32 to index
      %swap3A_215 = tpu.vector_load %arg6[%swap3A_214] {strides = array<i32>} : memref<25600xi32, #tpu.memory_space<vmem>>, vector<16xi32>,
      tpu.vector_store %arg6[%swap3A_214], %add3A_209 {strides = array<i32>} : memref<25600xi32, #tpu.memory_space<vmem>>, vector<16xi32>,
      %add3A_216 = vector.broadcast %sub3A_135 : i32 to vector<16xi32>
      %add3A_217 = arith.addi %mul3A_49, %add3A_216 : vector<16xi32>
      %gather3A_218 = tpu.vector_load_idx %arg5[%add3A_217] : memref<25600xi32, #tpu.memory_space<vmem>>[vector<16xi32>], vector<16xi32>,
      %ne3A_219 = arith.constant 0 : i32
      %ne3A_220 = vector.broadcast %ne3A_219 : i32 to vector<16xi32>
      %ne3A_221 = arith.cmpi ne, %gather3A_218, %ne3A_220 : vector<16xi32>
      %select_n3A_222 = arith.select %ne3A_221, %broadcast_in_dim3A_5, %broadcast_in_dim3A_7 : vector<16xi1>, vector<16xi32>
      %add3A_223 = arith.addi %scan3A_133, %select_n3A_222 : vector<16xi32>
      %mul3A_224 = arith.constant 128 : i32
      %mul3A_225 = arith.muli %sub3A_135, %mul3A_224 : i32
      %add3A_226 = arith.constant 96 : i32
      %add3A_227 = arith.addi %mul3A_225, %add3A_226 : i32
      %swap3A_228 = arith.index_cast %add3A_227 : i32 to index
      %swap3A_229 = tpu.vector_load %arg6[%swap3A_228] {strides = array<i32>} : memref<25600xi32, #tpu.memory_space<vmem>>, vector<16xi32>,
      tpu.vector_store %arg6[%swap3A_228], %add3A_223 {strides = array<i32>} : memref<25600xi32, #tpu.memory_space<vmem>>, vector<16xi32>,
      %add3A_230 = vector.broadcast %sub3A_135 : i32 to vector<16xi32>
      %add3A_231 = arith.addi %mul3A_55, %add3A_230 : vector<16xi32>
      %gather3A_232 = tpu.vector_load_idx %arg5[%add3A_231] : memref<25600xi32, #tpu.memory_space<vmem>>[vector<16xi32>], vector<16xi32>,
      %ne3A_233 = arith.constant 0 : i32
      %ne3A_234 = vector.broadcast %ne3A_233 : i32 to vector<16xi32>
      %ne3A_235 = arith.cmpi ne, %gather3A_232, %ne3A_234 : vector<16xi32>
      %select_n3A_236 = arith.select %ne3A_235, %broadcast_in_dim3A_5, %broadcast_in_dim3A_7 : vector<16xi1>, vector<16xi32>
      %add3A_237 = arith.addi %scan3A_134, %select_n3A_236 : vector<16xi32>
      %mul3A_238 = arith.constant 128 : i32
      %mul3A_239 = arith.muli %sub3A_135, %mul3A_238 : i32
      %add3A_240 = arith.constant 112 : i32
      %add3A_241 = arith.addi %mul3A_239, %add3A_240 : i32
      %swap3A_242 = arith.index_cast %add3A_241 : i32 to index
      %swap3A_243 = tpu.vector_load %arg6[%swap3A_242] {strides = array<i32>} : memref<25600xi32, #tpu.memory_space<vmem>>, vector<16xi32>,
      tpu.vector_store %arg6[%swap3A_242], %add3A_237 {strides = array<i32>} : memref<25600xi32, #tpu.memory_space<vmem>>, vector<16xi32>,
      scf.yield %add3A_140, %add3A_153, %add3A_167, %add3A_181, %add3A_195, %add3A_209, %add3A_223, %add3A_237 : vector<16xi32>, vector<16xi32>, vector<16xi32>, vector<16xi32>, vector<16xi32>, vector<16xi32>, vector<16xi32>, vector<16xi32>
    }
    %scan3A_60 = arith.constant 200 : i32
    %add3A_61 = arith.constant 0 : i32
    %add3A_62 = vector.broadcast %add3A_61 : i32 to vector<16xi32>
    %add3A_63 = arith.addi %iota3A, %add3A_62 : vector<16xi32>
    %add3A_64 = arith.constant 16 : i32
    %add3A_65 = vector.broadcast %add3A_64 : i32 to vector<16xi32>
    %add3A_66 = arith.addi %iota3A, %add3A_65 : vector<16xi32>
    %add3A_67 = arith.constant 32 : i32
    %add3A_68 = vector.broadcast %add3A_67 : i32 to vector<16xi32>
    %add3A_69 = arith.addi %iota3A, %add3A_68 : vector<16xi32>
    %add3A_70 = arith.constant 48 : i32
    %add3A_71 = vector.broadcast %add3A_70 : i32 to vector<16xi32>
    %add3A_72 = arith.addi %iota3A, %add3A_71 : vector<16xi32>
    %scan3A_73 = arith.constant 0 : i32
    %scan3A_74 = arith.constant 0 : i32
    %scan3A_75 = arith.constant 50 : i32
    %scan3A_76 = arith.addi %scan3A_74, %scan3A_75 : i32
    %scan3A_77 = arith.constant 1 : i32
    scf.for %scan3A_126 = %scan3A_74 to %scan3A_76 step %scan3A_77  : i32 {
      %mul3A_127 = arith.constant 2 : i32
      %mul3A_128 = arith.muli %scan3A_126, %mul3A_127 : i32
      %add3A_129 = arith.constant 0 : i32
      %add3A_130 = arith.addi %mul3A_128, %add3A_129 : i32
      %gt3A = arith.constant 0 : i32
      %gt3A_131 = arith.cmpi sgt, %scan3A_126, %gt3A : i32
      %convert_element_type3A = arith.extui %gt3A_131 : i1 to i32
      %cond3A = arith.constant 0 : i32
      %cond3A_132 = arith.cmpi ne, %convert_element_type3A, %cond3A : i32
      scf.if %cond3A_132 {
        %sub3A = arith.constant 2 : i32
        %sub3A_219 = arith.subi %add3A_130, %sub3A : i32
        %mul3A_220 = arith.constant 2 : i32
        %mul3A_221 = arith.muli %sub3A_219, %mul3A_220 : i32
        %add3A_222 = arith.constant 0 : i32
        %add3A_223 = arith.addi %mul3A_221, %add3A_222 : i32
        %mul3A_224 = arith.constant 4096 : i32
        %mul3A_225 = arith.muli %add3A_223, %mul3A_224 : i32
        %add3A_226 = arith.addi %mul3A_225, %mul3A_2 : i32
        %dma_wait3A_227 = arith.constant 0 : i32
        %dma_wait3A_228 = arith.constant 0 : i32
        %dma_wait3A_229 = tpu.memref_slice %arg8[%dma_wait3A_227, %dma_wait3A_228] : memref<256x64xf32, #tpu.memory_space<vmem>> -> memref<128x64xf32, #tpu.memory_space<vmem>>
        %dma_wait3A_230 = arith.constant 0 : i32
        %dma_wait3A_231 = tpu.memref_slice %arg4[%add3A_226, %dma_wait3A_230] : memref<819200x64xf32, #tpu.memory_space<hbm>> -> memref<128x64xf32, #tpu.memory_space<hbm>>
        %dma_wait3A_232 = arith.constant 0 : i32
        %dma_wait3A_233 = tpu.memref_slice %arg4[%add3A_226, %dma_wait3A_232] : memref<819200x64xf32, #tpu.memory_space<hbm>> -> memref<128x64xf32, #tpu.memory_space<hbm>>
        %dma_wait3A_234 = arith.constant 0 : i32
        %dma_wait3A_235 = arith.constant 0 : i32
        %dma_wait3A_236 = tpu.memref_slice %arg8[%dma_wait3A_234, %dma_wait3A_235] : memref<256x64xf32, #tpu.memory_space<vmem>> -> memref<128x64xf32, #tpu.memory_space<vmem>>
        tpu.wait_dma2 semaphore(%arg10 : memref<!tpu.dma_semaphore, #tpu.memory_space<semaphore_mem>>) src(%dma_wait3A_236 : memref<128x64xf32, #tpu.memory_space<vmem>>) dst(%dma_wait3A_233 : memref<128x64xf32, #tpu.memory_space<hbm>>)
        %mul3A_237 = arith.constant 2 : i32
        %mul3A_238 = arith.muli %sub3A_219, %mul3A_237 : i32
        %add3A_239 = arith.constant 1 : i32
        %add3A_240 = arith.addi %mul3A_238, %add3A_239 : i32
        %mul3A_241 = arith.constant 4096 : i32
        %mul3A_242 = arith.muli %add3A_240, %mul3A_241 : i32
        %add3A_243 = arith.addi %mul3A_242, %mul3A_2 : i32
        %dma_wait3A_244 = arith.constant 128 : i32
        %dma_wait3A_245 = arith.constant 0 : i32
        %dma_wait3A_246 = tpu.memref_slice %arg8[%dma_wait3A_244, %dma_wait3A_245] : memref<256x64xf32, #tpu.memory_space<vmem>> -> memref<128x64xf32, #tpu.memory_space<vmem>>
        %dma_wait3A_247 = arith.constant 0 : i32
        %dma_wait3A_248 = tpu.memref_slice %arg4[%add3A_243, %dma_wait3A_247] : memref<819200x64xf32, #tpu.memory_space<hbm>> -> memref<128x64xf32, #tpu.memory_space<hbm>>
        %dma_wait3A_249 = arith.constant 0 : i32
        %dma_wait3A_250 = tpu.memref_slice %arg4[%add3A_243, %dma_wait3A_249] : memref<819200x64xf32, #tpu.memory_space<hbm>> -> memref<128x64xf32, #tpu.memory_space<hbm>>
        %dma_wait3A_251 = arith.constant 128 : i32
        %dma_wait3A_252 = arith.constant 0 : i32
        %dma_wait3A_253 = tpu.memref_slice %arg8[%dma_wait3A_251, %dma_wait3A_252] : memref<256x64xf32, #tpu.memory_space<vmem>> -> memref<128x64xf32, #tpu.memory_space<vmem>>
        tpu.wait_dma2 semaphore(%arg10 : memref<!tpu.dma_semaphore, #tpu.memory_space<semaphore_mem>>) src(%dma_wait3A_253 : memref<128x64xf32, #tpu.memory_space<vmem>>) dst(%dma_wait3A_250 : memref<128x64xf32, #tpu.memory_space<hbm>>)
      } else {
      }
      %scan3A_133 = arith.constant 0 : i32
      %scan3A_134 = arith.constant 0 : i32
      %scan3A_135 = arith.constant 16 : i32
      %scan3A_136 = arith.addi %scan3A_134, %scan3A_135 : i32
      %scan3A_137 = arith.constant 1 : i32
      scf.for %scan3A_219 = %scan3A_134 to %scan3A_136 step %scan3A_137  : i32 {
        %mul3A_220 = arith.constant 16 : i32
        %mul3A_221 = arith.muli %scan3A_219, %mul3A_220 : i32
        %mul3A_222 = arith.constant 256 : i32
        %mul3A_223 = arith.muli %add3A_130, %mul3A_222 : i32
        %add3A_224 = arith.addi %mul3A_223, %mul3A_221 : i32
        %get3A = arith.index_cast %add3A_224 : i32 to index
        %get3A_225 = tpu.vector_load %arg6[%get3A] {strides = array<i32>} : memref<25600xi32, #tpu.memory_space<vmem>>, vector<16xi32>,
        %mul3A_226 = arith.constant 64 : i32
        %mul3A_227 = vector.broadcast %mul3A_226 : i32 to vector<16xi32>
        %mul3A_228 = arith.muli %get3A_225, %mul3A_227 : vector<16xi32>
        %slice3A = vector.extract_strided_slice %mul3A_228 {offsets = [0], sizes = [1], strides = [1]} : vector<16xi32> to vector<1xi32>
        %squeeze3A = vector.extract %slice3A[0] : i32 from vector<1xi32>
        %add3A_229 = vector.broadcast %squeeze3A : i32 to vector<16xi32>
        %add3A_230 = arith.addi %add3A_229, %add3A_63 : vector<16xi32>
        %gather3A = tpu.vector_load_idx %arg7[%add3A_230] : memref<16384xf32, #tpu.memory_space<vmem>>[vector<16xi32>], vector<16xf32>,
        %add3A_231 = vector.broadcast %squeeze3A : i32 to vector<16xi32>
        %add3A_232 = arith.addi %add3A_231, %add3A_66 : vector<16xi32>
        %gather3A_233 = tpu.vector_load_idx %arg7[%add3A_232] : memref<16384xf32, #tpu.memory_space<vmem>>[vector<16xi32>], vector<16xf32>,
        %add3A_234 = vector.broadcast %squeeze3A : i32 to vector<16xi32>
        %add3A_235 = arith.addi %add3A_234, %add3A_69 : vector<16xi32>
        %gather3A_236 = tpu.vector_load_idx %arg7[%add3A_235] : memref<16384xf32, #tpu.memory_space<vmem>>[vector<16xi32>], vector<16xf32>,
        %add3A_237 = vector.broadcast %squeeze3A : i32 to vector<16xi32>
        %add3A_238 = arith.addi %add3A_237, %add3A_72 : vector<16xi32>
        %gather3A_239 = tpu.vector_load_idx %arg7[%add3A_238] : memref<16384xf32, #tpu.memory_space<vmem>>[vector<16xi32>], vector<16xf32>,
        %slice3A_240 = vector.extract_strided_slice %mul3A_228 {offsets = [1], sizes = [1], strides = [1]} : vector<16xi32> to vector<1xi32>
        %squeeze3A_241 = vector.extract %slice3A_240[0] : i32 from vector<1xi32>
        %add3A_242 = vector.broadcast %squeeze3A_241 : i32 to vector<16xi32>
        %add3A_243 = arith.addi %add3A_242, %add3A_63 : vector<16xi32>
        %gather3A_244 = tpu.vector_load_idx %arg7[%add3A_243] : memref<16384xf32, #tpu.memory_space<vmem>>[vector<16xi32>], vector<16xf32>,
        %add3A_245 = vector.broadcast %squeeze3A_241 : i32 to vector<16xi32>
        %add3A_246 = arith.addi %add3A_245, %add3A_66 : vector<16xi32>
        %gather3A_247 = tpu.vector_load_idx %arg7[%add3A_246] : memref<16384xf32, #tpu.memory_space<vmem>>[vector<16xi32>], vector<16xf32>,
        %add3A_248 = vector.broadcast %squeeze3A_241 : i32 to vector<16xi32>
        %add3A_249 = arith.addi %add3A_248, %add3A_69 : vector<16xi32>
        %gather3A_250 = tpu.vector_load_idx %arg7[%add3A_249] : memref<16384xf32, #tpu.memory_space<vmem>>[vector<16xi32>], vector<16xf32>,
        %add3A_251 = vector.broadcast %squeeze3A_241 : i32 to vector<16xi32>
        %add3A_252 = arith.addi %add3A_251, %add3A_72 : vector<16xi32>
        %gather3A_253 = tpu.vector_load_idx %arg7[%add3A_252] : memref<16384xf32, #tpu.memory_space<vmem>>[vector<16xi32>], vector<16xf32>,
        %slice3A_254 = vector.extract_strided_slice %mul3A_228 {offsets = [2], sizes = [1], strides = [1]} : vector<16xi32> to vector<1xi32>
        %squeeze3A_255 = vector.extract %slice3A_254[0] : i32 from vector<1xi32>
        %add3A_256 = vector.broadcast %squeeze3A_255 : i32 to vector<16xi32>
        %add3A_257 = arith.addi %add3A_256, %add3A_63 : vector<16xi32>
        %gather3A_258 = tpu.vector_load_idx %arg7[%add3A_257] : memref<16384xf32, #tpu.memory_space<vmem>>[vector<16xi32>], vector<16xf32>,
        %add3A_259 = vector.broadcast %squeeze3A_255 : i32 to vector<16xi32>
        %add3A_260 = arith.addi %add3A_259, %add3A_66 : vector<16xi32>
        %gather3A_261 = tpu.vector_load_idx %arg7[%add3A_260] : memref<16384xf32, #tpu.memory_space<vmem>>[vector<16xi32>], vector<16xf32>,
        %add3A_262 = vector.broadcast %squeeze3A_255 : i32 to vector<16xi32>
        %add3A_263 = arith.addi %add3A_262, %add3A_69 : vector<16xi32>
        %gather3A_264 = tpu.vector_load_idx %arg7[%add3A_263] : memref<16384xf32, #tpu.memory_space<vmem>>[vector<16xi32>], vector<16xf32>,
        %add3A_265 = vector.broadcast %squeeze3A_255 : i32 to vector<16xi32>
        %add3A_266 = arith.addi %add3A_265, %add3A_72 : vector<16xi32>
        %gather3A_267 = tpu.vector_load_idx %arg7[%add3A_266] : memref<16384xf32, #tpu.memory_space<vmem>>[vector<16xi32>], vector<16xf32>,
        %slice3A_268 = vector.extract_strided_slice %mul3A_228 {offsets = [3], sizes = [1], strides = [1]} : vector<16xi32> to vector<1xi32>
        %squeeze3A_269 = vector.extract %slice3A_268[0] : i32 from vector<1xi32>
        %add3A_270 = vector.broadcast %squeeze3A_269 : i32 to vector<16xi32>
        %add3A_271 = arith.addi %add3A_270, %add3A_63 : vector<16xi32>
        %gather3A_272 = tpu.vector_load_idx %arg7[%add3A_271] : memref<16384xf32, #tpu.memory_space<vmem>>[vector<16xi32>], vector<16xf32>,
        %add3A_273 = vector.broadcast %squeeze3A_269 : i32 to vector<16xi32>
        %add3A_274 = arith.addi %add3A_273, %add3A_66 : vector<16xi32>
        %gather3A_275 = tpu.vector_load_idx %arg7[%add3A_274] : memref<16384xf32, #tpu.memory_space<vmem>>[vector<16xi32>], vector<16xf32>,
        %add3A_276 = vector.broadcast %squeeze3A_269 : i32 to vector<16xi32>
        %add3A_277 = arith.addi %add3A_276, %add3A_69 : vector<16xi32>
        %gather3A_278 = tpu.vector_load_idx %arg7[%add3A_277] : memref<16384xf32, #tpu.memory_space<vmem>>[vector<16xi32>], vector<16xf32>,
        %add3A_279 = vector.broadcast %squeeze3A_269 : i32 to vector<16xi32>
        %add3A_280 = arith.addi %add3A_279, %add3A_72 : vector<16xi32>
        %gather3A_281 = tpu.vector_load_idx %arg7[%add3A_280] : memref<16384xf32, #tpu.memory_space<vmem>>[vector<16xi32>], vector<16xf32>,
        %add3A_282 = arith.constant 0 : i32
        %add3A_283 = arith.addi %mul3A_221, %add3A_282 : i32
        %swap3A = arith.index_cast %add3A_283 : i32 to index
        %swap3A_284 = arith.constant 0 : index
        %swap3A_285 = tpu.vector_load %arg8[%swap3A, %swap3A_284] {strides = array<i32>} : memref<256x64xf32, #tpu.memory_space<vmem>>, vector<16xf32>,
        tpu.vector_store %arg8[%swap3A, %swap3A_284], %gather3A {strides = array<i32>} : memref<256x64xf32, #tpu.memory_space<vmem>>, vector<16xf32>,
        %add3A_286 = arith.constant 0 : i32
        %add3A_287 = arith.addi %mul3A_221, %add3A_286 : i32
        %swap3A_288 = arith.index_cast %add3A_287 : i32 to index
        %swap3A_289 = arith.constant 16 : index
        %swap3A_290 = tpu.vector_load %arg8[%swap3A_288, %swap3A_289] {strides = array<i32>} : memref<256x64xf32, #tpu.memory_space<vmem>>, vector<16xf32>,
        tpu.vector_store %arg8[%swap3A_288, %swap3A_289], %gather3A_233 {strides = array<i32>} : memref<256x64xf32, #tpu.memory_space<vmem>>, vector<16xf32>,
        %add3A_291 = arith.constant 0 : i32
        %add3A_292 = arith.addi %mul3A_221, %add3A_291 : i32
        %swap3A_293 = arith.index_cast %add3A_292 : i32 to index
        %swap3A_294 = arith.constant 32 : index
        %swap3A_295 = tpu.vector_load %arg8[%swap3A_293, %swap3A_294] {strides = array<i32>} : memref<256x64xf32, #tpu.memory_space<vmem>>, vector<16xf32>,
        tpu.vector_store %arg8[%swap3A_293, %swap3A_294], %gather3A_236 {strides = array<i32>} : memref<256x64xf32, #tpu.memory_space<vmem>>, vector<16xf32>,
        %add3A_296 = arith.constant 0 : i32
        %add3A_297 = arith.addi %mul3A_221, %add3A_296 : i32
        %swap3A_298 = arith.index_cast %add3A_297 : i32 to index
        %swap3A_299 = arith.constant 48 : index
        %swap3A_300 = tpu.vector_load %arg8[%swap3A_298, %swap3A_299] {strides = array<i32>} : memref<256x64xf32, #tpu.memory_space<vmem>>, vector<16xf32>,
        tpu.vector_store %arg8[%swap3A_298, %swap3A_299], %gather3A_239 {strides = array<i32>} : memref<256x64xf32, #tpu.memory_space<vmem>>, vector<16xf32>,
        %add3A_301 = arith.constant 1 : i32
        %add3A_302 = arith.addi %mul3A_221, %add3A_301 : i32
        %swap3A_303 = arith.index_cast %add3A_302 : i32 to index
        %swap3A_304 = arith.constant 0 : index
        %swap3A_305 = tpu.vector_load %arg8[%swap3A_303, %swap3A_304] {strides = array<i32>} : memref<256x64xf32, #tpu.memory_space<vmem>>, vector<16xf32>,
        tpu.vector_store %arg8[%swap3A_303, %swap3A_304], %gather3A_244 {strides = array<i32>} : memref<256x64xf32, #tpu.memory_space<vmem>>, vector<16xf32>,
        %add3A_306 = arith.constant 1 : i32
        %add3A_307 = arith.addi %mul3A_221, %add3A_306 : i32
        %swap3A_308 = arith.index_cast %add3A_307 : i32 to index
        %swap3A_309 = arith.constant 16 : index
        %swap3A_310 = tpu.vector_load %arg8[%swap3A_308, %swap3A_309] {strides = array<i32>} : memref<256x64xf32, #tpu.memory_space<vmem>>, vector<16xf32>,
        tpu.vector_store %arg8[%swap3A_308, %swap3A_309], %gather3A_247 {strides = array<i32>} : memref<256x64xf32, #tpu.memory_space<vmem>>, vector<16xf32>,
        %add3A_311 = arith.constant 1 : i32
        %add3A_312 = arith.addi %mul3A_221, %add3A_311 : i32
        %swap3A_313 = arith.index_cast %add3A_312 : i32 to index
        %swap3A_314 = arith.constant 32 : index
        %swap3A_315 = tpu.vector_load %arg8[%swap3A_313, %swap3A_314] {strides = array<i32>} : memref<256x64xf32, #tpu.memory_space<vmem>>, vector<16xf32>,
        tpu.vector_store %arg8[%swap3A_313, %swap3A_314], %gather3A_250 {strides = array<i32>} : memref<256x64xf32, #tpu.memory_space<vmem>>, vector<16xf32>,
        %add3A_316 = arith.constant 1 : i32
        %add3A_317 = arith.addi %mul3A_221, %add3A_316 : i32
        %swap3A_318 = arith.index_cast %add3A_317 : i32 to index
        %swap3A_319 = arith.constant 48 : index
        %swap3A_320 = tpu.vector_load %arg8[%swap3A_318, %swap3A_319] {strides = array<i32>} : memref<256x64xf32, #tpu.memory_space<vmem>>, vector<16xf32>,
        tpu.vector_store %arg8[%swap3A_318, %swap3A_319], %gather3A_253 {strides = array<i32>} : memref<256x64xf32, #tpu.memory_space<vmem>>, vector<16xf32>,
        %add3A_321 = arith.constant 2 : i32
        %add3A_322 = arith.addi %mul3A_221, %add3A_321 : i32
        %swap3A_323 = arith.index_cast %add3A_322 : i32 to index
        %swap3A_324 = arith.constant 0 : index
        %swap3A_325 = tpu.vector_load %arg8[%swap3A_323, %swap3A_324] {strides = array<i32>} : memref<256x64xf32, #tpu.memory_space<vmem>>, vector<16xf32>,
        tpu.vector_store %arg8[%swap3A_323, %swap3A_324], %gather3A_258 {strides = array<i32>} : memref<256x64xf32, #tpu.memory_space<vmem>>, vector<16xf32>,
        %add3A_326 = arith.constant 2 : i32
        %add3A_327 = arith.addi %mul3A_221, %add3A_326 : i32
        %swap3A_328 = arith.index_cast %add3A_327 : i32 to index
        %swap3A_329 = arith.constant 16 : index
        %swap3A_330 = tpu.vector_load %arg8[%swap3A_328, %swap3A_329] {strides = array<i32>} : memref<256x64xf32, #tpu.memory_space<vmem>>, vector<16xf32>,
        tpu.vector_store %arg8[%swap3A_328, %swap3A_329], %gather3A_261 {strides = array<i32>} : memref<256x64xf32, #tpu.memory_space<vmem>>, vector<16xf32>,
        %add3A_331 = arith.constant 2 : i32
        %add3A_332 = arith.addi %mul3A_221, %add3A_331 : i32
        %swap3A_333 = arith.index_cast %add3A_332 : i32 to index
        %swap3A_334 = arith.constant 32 : index
        %swap3A_335 = tpu.vector_load %arg8[%swap3A_333, %swap3A_334] {strides = array<i32>} : memref<256x64xf32, #tpu.memory_space<vmem>>, vector<16xf32>,
        tpu.vector_store %arg8[%swap3A_333, %swap3A_334], %gather3A_264 {strides = array<i32>} : memref<256x64xf32, #tpu.memory_space<vmem>>, vector<16xf32>,
        %add3A_336 = arith.constant 2 : i32
        %add3A_337 = arith.addi %mul3A_221, %add3A_336 : i32
        %swap3A_338 = arith.index_cast %add3A_337 : i32 to index
        %swap3A_339 = arith.constant 48 : index
        %swap3A_340 = tpu.vector_load %arg8[%swap3A_338, %swap3A_339] {strides = array<i32>} : memref<256x64xf32, #tpu.memory_space<vmem>>, vector<16xf32>,
        tpu.vector_store %arg8[%swap3A_338, %swap3A_339], %gather3A_267 {strides = array<i32>} : memref<256x64xf32, #tpu.memory_space<vmem>>, vector<16xf32>,
        %add3A_341 = arith.constant 3 : i32
        %add3A_342 = arith.addi %mul3A_221, %add3A_341 : i32
        %swap3A_343 = arith.index_cast %add3A_342 : i32 to index
        %swap3A_344 = arith.constant 0 : index
        %swap3A_345 = tpu.vector_load %arg8[%swap3A_343, %swap3A_344] {strides = array<i32>} : memref<256x64xf32, #tpu.memory_space<vmem>>, vector<16xf32>,
        tpu.vector_store %arg8[%swap3A_343, %swap3A_344], %gather3A_272 {strides = array<i32>} : memref<256x64xf32, #tpu.memory_space<vmem>>, vector<16xf32>,
        %add3A_346 = arith.constant 3 : i32
        %add3A_347 = arith.addi %mul3A_221, %add3A_346 : i32
        %swap3A_348 = arith.index_cast %add3A_347 : i32 to index
        %swap3A_349 = arith.constant 16 : index
        %swap3A_350 = tpu.vector_load %arg8[%swap3A_348, %swap3A_349] {strides = array<i32>} : memref<256x64xf32, #tpu.memory_space<vmem>>, vector<16xf32>,
        tpu.vector_store %arg8[%swap3A_348, %swap3A_349], %gather3A_275 {strides = array<i32>} : memref<256x64xf32, #tpu.memory_space<vmem>>, vector<16xf32>,
        %add3A_351 = arith.constant 3 : i32
        %add3A_352 = arith.addi %mul3A_221, %add3A_351 : i32
        %swap3A_353 = arith.index_cast %add3A_352 : i32 to index
        %swap3A_354 = arith.constant 32 : index
        %swap3A_355 = tpu.vector_load %arg8[%swap3A_353, %swap3A_354] {strides = array<i32>} : memref<256x64xf32, #tpu.memory_space<vmem>>, vector<16xf32>,
        tpu.vector_store %arg8[%swap3A_353, %swap3A_354], %gather3A_278 {strides = array<i32>} : memref<256x64xf32, #tpu.memory_space<vmem>>, vector<16xf32>,
        %add3A_356 = arith.constant 3 : i32
        %add3A_357 = arith.addi %mul3A_221, %add3A_356 : i32
        %swap3A_358 = arith.index_cast %add3A_357 : i32 to index
        %swap3A_359 = arith.constant 48 : index
        %swap3A_360 = tpu.vector_load %arg8[%swap3A_358, %swap3A_359] {strides = array<i32>} : memref<256x64xf32, #tpu.memory_space<vmem>>, vector<16xf32>,
        tpu.vector_store %arg8[%swap3A_358, %swap3A_359], %gather3A_281 {strides = array<i32>} : memref<256x64xf32, #tpu.memory_space<vmem>>, vector<16xf32>,
        %slice3A_361 = vector.extract_strided_slice %mul3A_228 {offsets = [4], sizes = [1], strides = [1]} : vector<16xi32> to vector<1xi32>
        %squeeze3A_362 = vector.extract %slice3A_361[0] : i32 from vector<1xi32>
        %add3A_363 = vector.broadcast %squeeze3A_362 : i32 to vector<16xi32>
        %add3A_364 = arith.addi %add3A_363, %add3A_63 : vector<16xi32>
        %gather3A_365 = tpu.vector_load_idx %arg7[%add3A_364] : memref<16384xf32, #tpu.memory_space<vmem>>[vector<16xi32>], vector<16xf32>,
        %add3A_366 = vector.broadcast %squeeze3A_362 : i32 to vector<16xi32>
        %add3A_367 = arith.addi %add3A_366, %add3A_66 : vector<16xi32>
        %gather3A_368 = tpu.vector_load_idx %arg7[%add3A_367] : memref<16384xf32, #tpu.memory_space<vmem>>[vector<16xi32>], vector<16xf32>,
        %add3A_369 = vector.broadcast %squeeze3A_362 : i32 to vector<16xi32>
        %add3A_370 = arith.addi %add3A_369, %add3A_69 : vector<16xi32>
        %gather3A_371 = tpu.vector_load_idx %arg7[%add3A_370] : memref<16384xf32, #tpu.memory_space<vmem>>[vector<16xi32>], vector<16xf32>,
        %add3A_372 = vector.broadcast %squeeze3A_362 : i32 to vector<16xi32>
        %add3A_373 = arith.addi %add3A_372, %add3A_72 : vector<16xi32>
        %gather3A_374 = tpu.vector_load_idx %arg7[%add3A_373] : memref<16384xf32, #tpu.memory_space<vmem>>[vector<16xi32>], vector<16xf32>,
        %slice3A_375 = vector.extract_strided_slice %mul3A_228 {offsets = [5], sizes = [1], strides = [1]} : vector<16xi32> to vector<1xi32>
        %squeeze3A_376 = vector.extract %slice3A_375[0] : i32 from vector<1xi32>
        %add3A_377 = vector.broadcast %squeeze3A_376 : i32 to vector<16xi32>
        %add3A_378 = arith.addi %add3A_377, %add3A_63 : vector<16xi32>
        %gather3A_379 = tpu.vector_load_idx %arg7[%add3A_378] : memref<16384xf32, #tpu.memory_space<vmem>>[vector<16xi32>], vector<16xf32>,
        %add3A_380 = vector.broadcast %squeeze3A_376 : i32 to vector<16xi32>
        %add3A_381 = arith.addi %add3A_380, %add3A_66 : vector<16xi32>
        %gather3A_382 = tpu.vector_load_idx %arg7[%add3A_381] : memref<16384xf32, #tpu.memory_space<vmem>>[vector<16xi32>], vector<16xf32>,
        %add3A_383 = vector.broadcast %squeeze3A_376 : i32 to vector<16xi32>
        %add3A_384 = arith.addi %add3A_383, %add3A_69 : vector<16xi32>
        %gather3A_385 = tpu.vector_load_idx %arg7[%add3A_384] : memref<16384xf32, #tpu.memory_space<vmem>>[vector<16xi32>], vector<16xf32>,
        %add3A_386 = vector.broadcast %squeeze3A_376 : i32 to vector<16xi32>
        %add3A_387 = arith.addi %add3A_386, %add3A_72 : vector<16xi32>
        %gather3A_388 = tpu.vector_load_idx %arg7[%add3A_387] : memref<16384xf32, #tpu.memory_space<vmem>>[vector<16xi32>], vector<16xf32>,
        %slice3A_389 = vector.extract_strided_slice %mul3A_228 {offsets = [6], sizes = [1], strides = [1]} : vector<16xi32> to vector<1xi32>
        %squeeze3A_390 = vector.extract %slice3A_389[0] : i32 from vector<1xi32>
        %add3A_391 = vector.broadcast %squeeze3A_390 : i32 to vector<16xi32>
        %add3A_392 = arith.addi %add3A_391, %add3A_63 : vector<16xi32>
        %gather3A_393 = tpu.vector_load_idx %arg7[%add3A_392] : memref<16384xf32, #tpu.memory_space<vmem>>[vector<16xi32>], vector<16xf32>,
        %add3A_394 = vector.broadcast %squeeze3A_390 : i32 to vector<16xi32>
        %add3A_395 = arith.addi %add3A_394, %add3A_66 : vector<16xi32>
        %gather3A_396 = tpu.vector_load_idx %arg7[%add3A_395] : memref<16384xf32, #tpu.memory_space<vmem>>[vector<16xi32>], vector<16xf32>,
        %add3A_397 = vector.broadcast %squeeze3A_390 : i32 to vector<16xi32>
        %add3A_398 = arith.addi %add3A_397, %add3A_69 : vector<16xi32>
        %gather3A_399 = tpu.vector_load_idx %arg7[%add3A_398] : memref<16384xf32, #tpu.memory_space<vmem>>[vector<16xi32>], vector<16xf32>,
        %add3A_400 = vector.broadcast %squeeze3A_390 : i32 to vector<16xi32>
        %add3A_401 = arith.addi %add3A_400, %add3A_72 : vector<16xi32>
        %gather3A_402 = tpu.vector_load_idx %arg7[%add3A_401] : memref<16384xf32, #tpu.memory_space<vmem>>[vector<16xi32>], vector<16xf32>,
        %slice3A_403 = vector.extract_strided_slice %mul3A_228 {offsets = [7], sizes = [1], strides = [1]} : vector<16xi32> to vector<1xi32>
        %squeeze3A_404 = vector.extract %slice3A_403[0] : i32 from vector<1xi32>
        %add3A_405 = vector.broadcast %squeeze3A_404 : i32 to vector<16xi32>
        %add3A_406 = arith.addi %add3A_405, %add3A_63 : vector<16xi32>
        %gather3A_407 = tpu.vector_load_idx %arg7[%add3A_406] : memref<16384xf32, #tpu.memory_space<vmem>>[vector<16xi32>], vector<16xf32>,
        %add3A_408 = vector.broadcast %squeeze3A_404 : i32 to vector<16xi32>
        %add3A_409 = arith.addi %add3A_408, %add3A_66 : vector<16xi32>
        %gather3A_410 = tpu.vector_load_idx %arg7[%add3A_409] : memref<16384xf32, #tpu.memory_space<vmem>>[vector<16xi32>], vector<16xf32>,
        %add3A_411 = vector.broadcast %squeeze3A_404 : i32 to vector<16xi32>
        %add3A_412 = arith.addi %add3A_411, %add3A_69 : vector<16xi32>
        %gather3A_413 = tpu.vector_load_idx %arg7[%add3A_412] : memref<16384xf32, #tpu.memory_space<vmem>>[vector<16xi32>], vector<16xf32>,
        %add3A_414 = vector.broadcast %squeeze3A_404 : i32 to vector<16xi32>
        %add3A_415 = arith.addi %add3A_414, %add3A_72 : vector<16xi32>
        %gather3A_416 = tpu.vector_load_idx %arg7[%add3A_415] : memref<16384xf32, #tpu.memory_space<vmem>>[vector<16xi32>], vector<16xf32>,
        %add3A_417 = arith.constant 4 : i32
        %add3A_418 = arith.addi %mul3A_221, %add3A_417 : i32
        %swap3A_419 = arith.index_cast %add3A_418 : i32 to index
        %swap3A_420 = arith.constant 0 : index
        %swap3A_421 = tpu.vector_load %arg8[%swap3A_419, %swap3A_420] {strides = array<i32>} : memref<256x64xf32, #tpu.memory_space<vmem>>, vector<16xf32>,
        tpu.vector_store %arg8[%swap3A_419, %swap3A_420], %gather3A_365 {strides = array<i32>} : memref<256x64xf32, #tpu.memory_space<vmem>>, vector<16xf32>,
        %add3A_422 = arith.constant 4 : i32
        %add3A_423 = arith.addi %mul3A_221, %add3A_422 : i32
        %swap3A_424 = arith.index_cast %add3A_423 : i32 to index
        %swap3A_425 = arith.constant 16 : index
        %swap3A_426 = tpu.vector_load %arg8[%swap3A_424, %swap3A_425] {strides = array<i32>} : memref<256x64xf32, #tpu.memory_space<vmem>>, vector<16xf32>,
        tpu.vector_store %arg8[%swap3A_424, %swap3A_425], %gather3A_368 {strides = array<i32>} : memref<256x64xf32, #tpu.memory_space<vmem>>, vector<16xf32>,
        %add3A_427 = arith.constant 4 : i32
        %add3A_428 = arith.addi %mul3A_221, %add3A_427 : i32
        %swap3A_429 = arith.index_cast %add3A_428 : i32 to index
        %swap3A_430 = arith.constant 32 : index
        %swap3A_431 = tpu.vector_load %arg8[%swap3A_429, %swap3A_430] {strides = array<i32>} : memref<256x64xf32, #tpu.memory_space<vmem>>, vector<16xf32>,
        tpu.vector_store %arg8[%swap3A_429, %swap3A_430], %gather3A_371 {strides = array<i32>} : memref<256x64xf32, #tpu.memory_space<vmem>>, vector<16xf32>,
        %add3A_432 = arith.constant 4 : i32
        %add3A_433 = arith.addi %mul3A_221, %add3A_432 : i32
        %swap3A_434 = arith.index_cast %add3A_433 : i32 to index
        %swap3A_435 = arith.constant 48 : index
        %swap3A_436 = tpu.vector_load %arg8[%swap3A_434, %swap3A_435] {strides = array<i32>} : memref<256x64xf32, #tpu.memory_space<vmem>>, vector<16xf32>,
        tpu.vector_store %arg8[%swap3A_434, %swap3A_435], %gather3A_374 {strides = array<i32>} : memref<256x64xf32, #tpu.memory_space<vmem>>, vector<16xf32>,
        %add3A_437 = arith.constant 5 : i32
        %add3A_438 = arith.addi %mul3A_221, %add3A_437 : i32
        %swap3A_439 = arith.index_cast %add3A_438 : i32 to index
        %swap3A_440 = arith.constant 0 : index
        %swap3A_441 = tpu.vector_load %arg8[%swap3A_439, %swap3A_440] {strides = array<i32>} : memref<256x64xf32, #tpu.memory_space<vmem>>, vector<16xf32>,
        tpu.vector_store %arg8[%swap3A_439, %swap3A_440], %gather3A_379 {strides = array<i32>} : memref<256x64xf32, #tpu.memory_space<vmem>>, vector<16xf32>,
        %add3A_442 = arith.constant 5 : i32
        %add3A_443 = arith.addi %mul3A_221, %add3A_442 : i32
        %swap3A_444 = arith.index_cast %add3A_443 : i32 to index
        %swap3A_445 = arith.constant 16 : index
        %swap3A_446 = tpu.vector_load %arg8[%swap3A_444, %swap3A_445] {strides = array<i32>} : memref<256x64xf32, #tpu.memory_space<vmem>>, vector<16xf32>,
        tpu.vector_store %arg8[%swap3A_444, %swap3A_445], %gather3A_382 {strides = array<i32>} : memref<256x64xf32, #tpu.memory_space<vmem>>, vector<16xf32>,
        %add3A_447 = arith.constant 5 : i32
        %add3A_448 = arith.addi %mul3A_221, %add3A_447 : i32
        %swap3A_449 = arith.index_cast %add3A_448 : i32 to index
        %swap3A_450 = arith.constant 32 : index
        %swap3A_451 = tpu.vector_load %arg8[%swap3A_449, %swap3A_450] {strides = array<i32>} : memref<256x64xf32, #tpu.memory_space<vmem>>, vector<16xf32>,
        tpu.vector_store %arg8[%swap3A_449, %swap3A_450], %gather3A_385 {strides = array<i32>} : memref<256x64xf32, #tpu.memory_space<vmem>>, vector<16xf32>,
        %add3A_452 = arith.constant 5 : i32
        %add3A_453 = arith.addi %mul3A_221, %add3A_452 : i32
        %swap3A_454 = arith.index_cast %add3A_453 : i32 to index
        %swap3A_455 = arith.constant 48 : index
        %swap3A_456 = tpu.vector_load %arg8[%swap3A_454, %swap3A_455] {strides = array<i32>} : memref<256x64xf32, #tpu.memory_space<vmem>>, vector<16xf32>,
        tpu.vector_store %arg8[%swap3A_454, %swap3A_455], %gather3A_388 {strides = array<i32>} : memref<256x64xf32, #tpu.memory_space<vmem>>, vector<16xf32>,
        %add3A_457 = arith.constant 6 : i32
        %add3A_458 = arith.addi %mul3A_221, %add3A_457 : i32
        %swap3A_459 = arith.index_cast %add3A_458 : i32 to index
        %swap3A_460 = arith.constant 0 : index
        %swap3A_461 = tpu.vector_load %arg8[%swap3A_459, %swap3A_460] {strides = array<i32>} : memref<256x64xf32, #tpu.memory_space<vmem>>, vector<16xf32>,
        tpu.vector_store %arg8[%swap3A_459, %swap3A_460], %gather3A_393 {strides = array<i32>} : memref<256x64xf32, #tpu.memory_space<vmem>>, vector<16xf32>,
        %add3A_462 = arith.constant 6 : i32
        %add3A_463 = arith.addi %mul3A_221, %add3A_462 : i32
        %swap3A_464 = arith.index_cast %add3A_463 : i32 to index
        %swap3A_465 = arith.constant 16 : index
        %swap3A_466 = tpu.vector_load %arg8[%swap3A_464, %swap3A_465] {strides = array<i32>} : memref<256x64xf32, #tpu.memory_space<vmem>>, vector<16xf32>,
        tpu.vector_store %arg8[%swap3A_464, %swap3A_465], %gather3A_396 {strides = array<i32>} : memref<256x64xf32, #tpu.memory_space<vmem>>, vector<16xf32>,
        %add3A_467 = arith.constant 6 : i32
        %add3A_468 = arith.addi %mul3A_221, %add3A_467 : i32
        %swap3A_469 = arith.index_cast %add3A_468 : i32 to index
        %swap3A_470 = arith.constant 32 : index
        %swap3A_471 = tpu.vector_load %arg8[%swap3A_469, %swap3A_470] {strides = array<i32>} : memref<256x64xf32, #tpu.memory_space<vmem>>, vector<16xf32>,
        tpu.vector_store %arg8[%swap3A_469, %swap3A_470], %gather3A_399 {strides = array<i32>} : memref<256x64xf32, #tpu.memory_space<vmem>>, vector<16xf32>,
        %add3A_472 = arith.constant 6 : i32
        %add3A_473 = arith.addi %mul3A_221, %add3A_472 : i32
        %swap3A_474 = arith.index_cast %add3A_473 : i32 to index
        %swap3A_475 = arith.constant 48 : index
        %swap3A_476 = tpu.vector_load %arg8[%swap3A_474, %swap3A_475] {strides = array<i32>} : memref<256x64xf32, #tpu.memory_space<vmem>>, vector<16xf32>,
        tpu.vector_store %arg8[%swap3A_474, %swap3A_475], %gather3A_402 {strides = array<i32>} : memref<256x64xf32, #tpu.memory_space<vmem>>, vector<16xf32>,
        %add3A_477 = arith.constant 7 : i32
        %add3A_478 = arith.addi %mul3A_221, %add3A_477 : i32
        %swap3A_479 = arith.index_cast %add3A_478 : i32 to index
        %swap3A_480 = arith.constant 0 : index
        %swap3A_481 = tpu.vector_load %arg8[%swap3A_479, %swap3A_480] {strides = array<i32>} : memref<256x64xf32, #tpu.memory_space<vmem>>, vector<16xf32>,
        tpu.vector_store %arg8[%swap3A_479, %swap3A_480], %gather3A_407 {strides = array<i32>} : memref<256x64xf32, #tpu.memory_space<vmem>>, vector<16xf32>,
        %add3A_482 = arith.constant 7 : i32
        %add3A_483 = arith.addi %mul3A_221, %add3A_482 : i32
        %swap3A_484 = arith.index_cast %add3A_483 : i32 to index
        %swap3A_485 = arith.constant 16 : index
        %swap3A_486 = tpu.vector_load %arg8[%swap3A_484, %swap3A_485] {strides = array<i32>} : memref<256x64xf32, #tpu.memory_space<vmem>>, vector<16xf32>,
        tpu.vector_store %arg8[%swap3A_484, %swap3A_485], %gather3A_410 {strides = array<i32>} : memref<256x64xf32, #tpu.memory_space<vmem>>, vector<16xf32>,
        %add3A_487 = arith.constant 7 : i32
        %add3A_488 = arith.addi %mul3A_221, %add3A_487 : i32
        %swap3A_489 = arith.index_cast %add3A_488 : i32 to index
        %swap3A_490 = arith.constant 32 : index
        %swap3A_491 = tpu.vector_load %arg8[%swap3A_489, %swap3A_490] {strides = array<i32>} : memref<256x64xf32, #tpu.memory_space<vmem>>, vector<16xf32>,
        tpu.vector_store %arg8[%swap3A_489, %swap3A_490], %gather3A_413 {strides = array<i32>} : memref<256x64xf32, #tpu.memory_space<vmem>>, vector<16xf32>,
        %add3A_492 = arith.constant 7 : i32
        %add3A_493 = arith.addi %mul3A_221, %add3A_492 : i32
        %swap3A_494 = arith.index_cast %add3A_493 : i32 to index
        %swap3A_495 = arith.constant 48 : index
        %swap3A_496 = tpu.vector_load %arg8[%swap3A_494, %swap3A_495] {strides = array<i32>} : memref<256x64xf32, #tpu.memory_space<vmem>>, vector<16xf32>,
        tpu.vector_store %arg8[%swap3A_494, %swap3A_495], %gather3A_416 {strides = array<i32>} : memref<256x64xf32, #tpu.memory_space<vmem>>, vector<16xf32>,
        %slice3A_497 = vector.extract_strided_slice %mul3A_228 {offsets = [8], sizes = [1], strides = [1]} : vector<16xi32> to vector<1xi32>
        %squeeze3A_498 = vector.extract %slice3A_497[0] : i32 from vector<1xi32>
        %add3A_499 = vector.broadcast %squeeze3A_498 : i32 to vector<16xi32>
        %add3A_500 = arith.addi %add3A_499, %add3A_63 : vector<16xi32>
        %gather3A_501 = tpu.vector_load_idx %arg7[%add3A_500] : memref<16384xf32, #tpu.memory_space<vmem>>[vector<16xi32>], vector<16xf32>,
        %add3A_502 = vector.broadcast %squeeze3A_498 : i32 to vector<16xi32>
        %add3A_503 = arith.addi %add3A_502, %add3A_66 : vector<16xi32>
        %gather3A_504 = tpu.vector_load_idx %arg7[%add3A_503] : memref<16384xf32, #tpu.memory_space<vmem>>[vector<16xi32>], vector<16xf32>,
        %add3A_505 = vector.broadcast %squeeze3A_498 : i32 to vector<16xi32>
        %add3A_506 = arith.addi %add3A_505, %add3A_69 : vector<16xi32>
        %gather3A_507 = tpu.vector_load_idx %arg7[%add3A_506] : memref<16384xf32, #tpu.memory_space<vmem>>[vector<16xi32>], vector<16xf32>,
        %add3A_508 = vector.broadcast %squeeze3A_498 : i32 to vector<16xi32>
        %add3A_509 = arith.addi %add3A_508, %add3A_72 : vector<16xi32>
        %gather3A_510 = tpu.vector_load_idx %arg7[%add3A_509] : memref<16384xf32, #tpu.memory_space<vmem>>[vector<16xi32>], vector<16xf32>,
        %slice3A_511 = vector.extract_strided_slice %mul3A_228 {offsets = [9], sizes = [1], strides = [1]} : vector<16xi32> to vector<1xi32>
        %squeeze3A_512 = vector.extract %slice3A_511[0] : i32 from vector<1xi32>
        %add3A_513 = vector.broadcast %squeeze3A_512 : i32 to vector<16xi32>
        %add3A_514 = arith.addi %add3A_513, %add3A_63 : vector<16xi32>
        %gather3A_515 = tpu.vector_load_idx %arg7[%add3A_514] : memref<16384xf32, #tpu.memory_space<vmem>>[vector<16xi32>], vector<16xf32>,
        %add3A_516 = vector.broadcast %squeeze3A_512 : i32 to vector<16xi32>
        %add3A_517 = arith.addi %add3A_516, %add3A_66 : vector<16xi32>
        %gather3A_518 = tpu.vector_load_idx %arg7[%add3A_517] : memref<16384xf32, #tpu.memory_space<vmem>>[vector<16xi32>], vector<16xf32>,
        %add3A_519 = vector.broadcast %squeeze3A_512 : i32 to vector<16xi32>
        %add3A_520 = arith.addi %add3A_519, %add3A_69 : vector<16xi32>
        %gather3A_521 = tpu.vector_load_idx %arg7[%add3A_520] : memref<16384xf32, #tpu.memory_space<vmem>>[vector<16xi32>], vector<16xf32>,
        %add3A_522 = vector.broadcast %squeeze3A_512 : i32 to vector<16xi32>
        %add3A_523 = arith.addi %add3A_522, %add3A_72 : vector<16xi32>
        %gather3A_524 = tpu.vector_load_idx %arg7[%add3A_523] : memref<16384xf32, #tpu.memory_space<vmem>>[vector<16xi32>], vector<16xf32>,
        %slice3A_525 = vector.extract_strided_slice %mul3A_228 {offsets = [10], sizes = [1], strides = [1]} : vector<16xi32> to vector<1xi32>
        %squeeze3A_526 = vector.extract %slice3A_525[0] : i32 from vector<1xi32>
        %add3A_527 = vector.broadcast %squeeze3A_526 : i32 to vector<16xi32>
        %add3A_528 = arith.addi %add3A_527, %add3A_63 : vector<16xi32>
        %gather3A_529 = tpu.vector_load_idx %arg7[%add3A_528] : memref<16384xf32, #tpu.memory_space<vmem>>[vector<16xi32>], vector<16xf32>,
        %add3A_530 = vector.broadcast %squeeze3A_526 : i32 to vector<16xi32>
        %add3A_531 = arith.addi %add3A_530, %add3A_66 : vector<16xi32>
        %gather3A_532 = tpu.vector_load_idx %arg7[%add3A_531] : memref<16384xf32, #tpu.memory_space<vmem>>[vector<16xi32>], vector<16xf32>,
        %add3A_533 = vector.broadcast %squeeze3A_526 : i32 to vector<16xi32>
        %add3A_534 = arith.addi %add3A_533, %add3A_69 : vector<16xi32>
        %gather3A_535 = tpu.vector_load_idx %arg7[%add3A_534] : memref<16384xf32, #tpu.memory_space<vmem>>[vector<16xi32>], vector<16xf32>,
        %add3A_536 = vector.broadcast %squeeze3A_526 : i32 to vector<16xi32>
        %add3A_537 = arith.addi %add3A_536, %add3A_72 : vector<16xi32>
        %gather3A_538 = tpu.vector_load_idx %arg7[%add3A_537] : memref<16384xf32, #tpu.memory_space<vmem>>[vector<16xi32>], vector<16xf32>,
        %slice3A_539 = vector.extract_strided_slice %mul3A_228 {offsets = [11], sizes = [1], strides = [1]} : vector<16xi32> to vector<1xi32>
        %squeeze3A_540 = vector.extract %slice3A_539[0] : i32 from vector<1xi32>
        %add3A_541 = vector.broadcast %squeeze3A_540 : i32 to vector<16xi32>
        %add3A_542 = arith.addi %add3A_541, %add3A_63 : vector<16xi32>
        %gather3A_543 = tpu.vector_load_idx %arg7[%add3A_542] : memref<16384xf32, #tpu.memory_space<vmem>>[vector<16xi32>], vector<16xf32>,
        %add3A_544 = vector.broadcast %squeeze3A_540 : i32 to vector<16xi32>
        %add3A_545 = arith.addi %add3A_544, %add3A_66 : vector<16xi32>
        %gather3A_546 = tpu.vector_load_idx %arg7[%add3A_545] : memref<16384xf32, #tpu.memory_space<vmem>>[vector<16xi32>], vector<16xf32>,
        %add3A_547 = vector.broadcast %squeeze3A_540 : i32 to vector<16xi32>
        %add3A_548 = arith.addi %add3A_547, %add3A_69 : vector<16xi32>
        %gather3A_549 = tpu.vector_load_idx %arg7[%add3A_548] : memref<16384xf32, #tpu.memory_space<vmem>>[vector<16xi32>], vector<16xf32>,
        %add3A_550 = vector.broadcast %squeeze3A_540 : i32 to vector<16xi32>
        %add3A_551 = arith.addi %add3A_550, %add3A_72 : vector<16xi32>
        %gather3A_552 = tpu.vector_load_idx %arg7[%add3A_551] : memref<16384xf32, #tpu.memory_space<vmem>>[vector<16xi32>], vector<16xf32>,
        %add3A_553 = arith.constant 8 : i32
        %add3A_554 = arith.addi %mul3A_221, %add3A_553 : i32
        %swap3A_555 = arith.index_cast %add3A_554 : i32 to index
        %swap3A_556 = arith.constant 0 : index
        %swap3A_557 = tpu.vector_load %arg8[%swap3A_555, %swap3A_556] {strides = array<i32>} : memref<256x64xf32, #tpu.memory_space<vmem>>, vector<16xf32>,
        tpu.vector_store %arg8[%swap3A_555, %swap3A_556], %gather3A_501 {strides = array<i32>} : memref<256x64xf32, #tpu.memory_space<vmem>>, vector<16xf32>,
        %add3A_558 = arith.constant 8 : i32
        %add3A_559 = arith.addi %mul3A_221, %add3A_558 : i32
        %swap3A_560 = arith.index_cast %add3A_559 : i32 to index
        %swap3A_561 = arith.constant 16 : index
        %swap3A_562 = tpu.vector_load %arg8[%swap3A_560, %swap3A_561] {strides = array<i32>} : memref<256x64xf32, #tpu.memory_space<vmem>>, vector<16xf32>,
        tpu.vector_store %arg8[%swap3A_560, %swap3A_561], %gather3A_504 {strides = array<i32>} : memref<256x64xf32, #tpu.memory_space<vmem>>, vector<16xf32>,
        %add3A_563 = arith.constant 8 : i32
        %add3A_564 = arith.addi %mul3A_221, %add3A_563 : i32
        %swap3A_565 = arith.index_cast %add3A_564 : i32 to index
        %swap3A_566 = arith.constant 32 : index
        %swap3A_567 = tpu.vector_load %arg8[%swap3A_565, %swap3A_566] {strides = array<i32>} : memref<256x64xf32, #tpu.memory_space<vmem>>, vector<16xf32>,
        tpu.vector_store %arg8[%swap3A_565, %swap3A_566], %gather3A_507 {strides = array<i32>} : memref<256x64xf32, #tpu.memory_space<vmem>>, vector<16xf32>,
        %add3A_568 = arith.constant 8 : i32
        %add3A_569 = arith.addi %mul3A_221, %add3A_568 : i32
        %swap3A_570 = arith.index_cast %add3A_569 : i32 to index
        %swap3A_571 = arith.constant 48 : index
        %swap3A_572 = tpu.vector_load %arg8[%swap3A_570, %swap3A_571] {strides = array<i32>} : memref<256x64xf32, #tpu.memory_space<vmem>>, vector<16xf32>,
        tpu.vector_store %arg8[%swap3A_570, %swap3A_571], %gather3A_510 {strides = array<i32>} : memref<256x64xf32, #tpu.memory_space<vmem>>, vector<16xf32>,
        %add3A_573 = arith.constant 9 : i32
        %add3A_574 = arith.addi %mul3A_221, %add3A_573 : i32
        %swap3A_575 = arith.index_cast %add3A_574 : i32 to index
        %swap3A_576 = arith.constant 0 : index
        %swap3A_577 = tpu.vector_load %arg8[%swap3A_575, %swap3A_576] {strides = array<i32>} : memref<256x64xf32, #tpu.memory_space<vmem>>, vector<16xf32>,
        tpu.vector_store %arg8[%swap3A_575, %swap3A_576], %gather3A_515 {strides = array<i32>} : memref<256x64xf32, #tpu.memory_space<vmem>>, vector<16xf32>,
        %add3A_578 = arith.constant 9 : i32
        %add3A_579 = arith.addi %mul3A_221, %add3A_578 : i32
        %swap3A_580 = arith.index_cast %add3A_579 : i32 to index
        %swap3A_581 = arith.constant 16 : index
        %swap3A_582 = tpu.vector_load %arg8[%swap3A_580, %swap3A_581] {strides = array<i32>} : memref<256x64xf32, #tpu.memory_space<vmem>>, vector<16xf32>,
        tpu.vector_store %arg8[%swap3A_580, %swap3A_581], %gather3A_518 {strides = array<i32>} : memref<256x64xf32, #tpu.memory_space<vmem>>, vector<16xf32>,
        %add3A_583 = arith.constant 9 : i32
        %add3A_584 = arith.addi %mul3A_221, %add3A_583 : i32
        %swap3A_585 = arith.index_cast %add3A_584 : i32 to index
        %swap3A_586 = arith.constant 32 : index
        %swap3A_587 = tpu.vector_load %arg8[%swap3A_585, %swap3A_586] {strides = array<i32>} : memref<256x64xf32, #tpu.memory_space<vmem>>, vector<16xf32>,
        tpu.vector_store %arg8[%swap3A_585, %swap3A_586], %gather3A_521 {strides = array<i32>} : memref<256x64xf32, #tpu.memory_space<vmem>>, vector<16xf32>,
        %add3A_588 = arith.constant 9 : i32
        %add3A_589 = arith.addi %mul3A_221, %add3A_588 : i32
        %swap3A_590 = arith.index_cast %add3A_589 : i32 to index
        %swap3A_591 = arith.constant 48 : index
        %swap3A_592 = tpu.vector_load %arg8[%swap3A_590, %swap3A_591] {strides = array<i32>} : memref<256x64xf32, #tpu.memory_space<vmem>>, vector<16xf32>,
        tpu.vector_store %arg8[%swap3A_590, %swap3A_591], %gather3A_524 {strides = array<i32>} : memref<256x64xf32, #tpu.memory_space<vmem>>, vector<16xf32>,
        %add3A_593 = arith.constant 10 : i32
        %add3A_594 = arith.addi %mul3A_221, %add3A_593 : i32
        %swap3A_595 = arith.index_cast %add3A_594 : i32 to index
        %swap3A_596 = arith.constant 0 : index
        %swap3A_597 = tpu.vector_load %arg8[%swap3A_595, %swap3A_596] {strides = array<i32>} : memref<256x64xf32, #tpu.memory_space<vmem>>, vector<16xf32>,
        tpu.vector_store %arg8[%swap3A_595, %swap3A_596], %gather3A_529 {strides = array<i32>} : memref<256x64xf32, #tpu.memory_space<vmem>>, vector<16xf32>,
        %add3A_598 = arith.constant 10 : i32
        %add3A_599 = arith.addi %mul3A_221, %add3A_598 : i32
        %swap3A_600 = arith.index_cast %add3A_599 : i32 to index
        %swap3A_601 = arith.constant 16 : index
        %swap3A_602 = tpu.vector_load %arg8[%swap3A_600, %swap3A_601] {strides = array<i32>} : memref<256x64xf32, #tpu.memory_space<vmem>>, vector<16xf32>,
        tpu.vector_store %arg8[%swap3A_600, %swap3A_601], %gather3A_532 {strides = array<i32>} : memref<256x64xf32, #tpu.memory_space<vmem>>, vector<16xf32>,
        %add3A_603 = arith.constant 10 : i32
        %add3A_604 = arith.addi %mul3A_221, %add3A_603 : i32
        %swap3A_605 = arith.index_cast %add3A_604 : i32 to index
        %swap3A_606 = arith.constant 32 : index
        %swap3A_607 = tpu.vector_load %arg8[%swap3A_605, %swap3A_606] {strides = array<i32>} : memref<256x64xf32, #tpu.memory_space<vmem>>, vector<16xf32>,
        tpu.vector_store %arg8[%swap3A_605, %swap3A_606], %gather3A_535 {strides = array<i32>} : memref<256x64xf32, #tpu.memory_space<vmem>>, vector<16xf32>,
        %add3A_608 = arith.constant 10 : i32
        %add3A_609 = arith.addi %mul3A_221, %add3A_608 : i32
        %swap3A_610 = arith.index_cast %add3A_609 : i32 to index
        %swap3A_611 = arith.constant 48 : index
        %swap3A_612 = tpu.vector_load %arg8[%swap3A_610, %swap3A_611] {strides = array<i32>} : memref<256x64xf32, #tpu.memory_space<vmem>>, vector<16xf32>,
        tpu.vector_store %arg8[%swap3A_610, %swap3A_611], %gather3A_538 {strides = array<i32>} : memref<256x64xf32, #tpu.memory_space<vmem>>, vector<16xf32>,
        %add3A_613 = arith.constant 11 : i32
        %add3A_614 = arith.addi %mul3A_221, %add3A_613 : i32
        %swap3A_615 = arith.index_cast %add3A_614 : i32 to index
        %swap3A_616 = arith.constant 0 : index
        %swap3A_617 = tpu.vector_load %arg8[%swap3A_615, %swap3A_616] {strides = array<i32>} : memref<256x64xf32, #tpu.memory_space<vmem>>, vector<16xf32>,
        tpu.vector_store %arg8[%swap3A_615, %swap3A_616], %gather3A_543 {strides = array<i32>} : memref<256x64xf32, #tpu.memory_space<vmem>>, vector<16xf32>,
        %add3A_618 = arith.constant 11 : i32
        %add3A_619 = arith.addi %mul3A_221, %add3A_618 : i32
        %swap3A_620 = arith.index_cast %add3A_619 : i32 to index
        %swap3A_621 = arith.constant 16 : index
        %swap3A_622 = tpu.vector_load %arg8[%swap3A_620, %swap3A_621] {strides = array<i32>} : memref<256x64xf32, #tpu.memory_space<vmem>>, vector<16xf32>,
        tpu.vector_store %arg8[%swap3A_620, %swap3A_621], %gather3A_546 {strides = array<i32>} : memref<256x64xf32, #tpu.memory_space<vmem>>, vector<16xf32>,
        %add3A_623 = arith.constant 11 : i32
        %add3A_624 = arith.addi %mul3A_221, %add3A_623 : i32
        %swap3A_625 = arith.index_cast %add3A_624 : i32 to index
        %swap3A_626 = arith.constant 32 : index
        %swap3A_627 = tpu.vector_load %arg8[%swap3A_625, %swap3A_626] {strides = array<i32>} : memref<256x64xf32, #tpu.memory_space<vmem>>, vector<16xf32>,
        tpu.vector_store %arg8[%swap3A_625, %swap3A_626], %gather3A_549 {strides = array<i32>} : memref<256x64xf32, #tpu.memory_space<vmem>>, vector<16xf32>,
        %add3A_628 = arith.constant 11 : i32
        %add3A_629 = arith.addi %mul3A_221, %add3A_628 : i32
        %swap3A_630 = arith.index_cast %add3A_629 : i32 to index
        %swap3A_631 = arith.constant 48 : index
        %swap3A_632 = tpu.vector_load %arg8[%swap3A_630, %swap3A_631] {strides = array<i32>} : memref<256x64xf32, #tpu.memory_space<vmem>>, vector<16xf32>,
        tpu.vector_store %arg8[%swap3A_630, %swap3A_631], %gather3A_552 {strides = array<i32>} : memref<256x64xf32, #tpu.memory_space<vmem>>, vector<16xf32>,
        %slice3A_633 = vector.extract_strided_slice %mul3A_228 {offsets = [12], sizes = [1], strides = [1]} : vector<16xi32> to vector<1xi32>
        %squeeze3A_634 = vector.extract %slice3A_633[0] : i32 from vector<1xi32>
        %add3A_635 = vector.broadcast %squeeze3A_634 : i32 to vector<16xi32>
        %add3A_636 = arith.addi %add3A_635, %add3A_63 : vector<16xi32>
        %gather3A_637 = tpu.vector_load_idx %arg7[%add3A_636] : memref<16384xf32, #tpu.memory_space<vmem>>[vector<16xi32>], vector<16xf32>,
        %add3A_638 = vector.broadcast %squeeze3A_634 : i32 to vector<16xi32>
        %add3A_639 = arith.addi %add3A_638, %add3A_66 : vector<16xi32>
        %gather3A_640 = tpu.vector_load_idx %arg7[%add3A_639] : memref<16384xf32, #tpu.memory_space<vmem>>[vector<16xi32>], vector<16xf32>,
        %add3A_641 = vector.broadcast %squeeze3A_634 : i32 to vector<16xi32>
        %add3A_642 = arith.addi %add3A_641, %add3A_69 : vector<16xi32>
        %gather3A_643 = tpu.vector_load_idx %arg7[%add3A_642] : memref<16384xf32, #tpu.memory_space<vmem>>[vector<16xi32>], vector<16xf32>,
        %add3A_644 = vector.broadcast %squeeze3A_634 : i32 to vector<16xi32>
        %add3A_645 = arith.addi %add3A_644, %add3A_72 : vector<16xi32>
        %gather3A_646 = tpu.vector_load_idx %arg7[%add3A_645] : memref<16384xf32, #tpu.memory_space<vmem>>[vector<16xi32>], vector<16xf32>,
        %slice3A_647 = vector.extract_strided_slice %mul3A_228 {offsets = [13], sizes = [1], strides = [1]} : vector<16xi32> to vector<1xi32>
        %squeeze3A_648 = vector.extract %slice3A_647[0] : i32 from vector<1xi32>
        %add3A_649 = vector.broadcast %squeeze3A_648 : i32 to vector<16xi32>
        %add3A_650 = arith.addi %add3A_649, %add3A_63 : vector<16xi32>
        %gather3A_651 = tpu.vector_load_idx %arg7[%add3A_650] : memref<16384xf32, #tpu.memory_space<vmem>>[vector<16xi32>], vector<16xf32>,
        %add3A_652 = vector.broadcast %squeeze3A_648 : i32 to vector<16xi32>
        %add3A_653 = arith.addi %add3A_652, %add3A_66 : vector<16xi32>
        %gather3A_654 = tpu.vector_load_idx %arg7[%add3A_653] : memref<16384xf32, #tpu.memory_space<vmem>>[vector<16xi32>], vector<16xf32>,
        %add3A_655 = vector.broadcast %squeeze3A_648 : i32 to vector<16xi32>
        %add3A_656 = arith.addi %add3A_655, %add3A_69 : vector<16xi32>
        %gather3A_657 = tpu.vector_load_idx %arg7[%add3A_656] : memref<16384xf32, #tpu.memory_space<vmem>>[vector<16xi32>], vector<16xf32>,
        %add3A_658 = vector.broadcast %squeeze3A_648 : i32 to vector<16xi32>
        %add3A_659 = arith.addi %add3A_658, %add3A_72 : vector<16xi32>
        %gather3A_660 = tpu.vector_load_idx %arg7[%add3A_659] : memref<16384xf32, #tpu.memory_space<vmem>>[vector<16xi32>], vector<16xf32>,
        %slice3A_661 = vector.extract_strided_slice %mul3A_228 {offsets = [14], sizes = [1], strides = [1]} : vector<16xi32> to vector<1xi32>
        %squeeze3A_662 = vector.extract %slice3A_661[0] : i32 from vector<1xi32>
        %add3A_663 = vector.broadcast %squeeze3A_662 : i32 to vector<16xi32>
        %add3A_664 = arith.addi %add3A_663, %add3A_63 : vector<16xi32>
        %gather3A_665 = tpu.vector_load_idx %arg7[%add3A_664] : memref<16384xf32, #tpu.memory_space<vmem>>[vector<16xi32>], vector<16xf32>,
        %add3A_666 = vector.broadcast %squeeze3A_662 : i32 to vector<16xi32>
        %add3A_667 = arith.addi %add3A_666, %add3A_66 : vector<16xi32>
        %gather3A_668 = tpu.vector_load_idx %arg7[%add3A_667] : memref<16384xf32, #tpu.memory_space<vmem>>[vector<16xi32>], vector<16xf32>,
        %add3A_669 = vector.broadcast %squeeze3A_662 : i32 to vector<16xi32>
        %add3A_670 = arith.addi %add3A_669, %add3A_69 : vector<16xi32>
        %gather3A_671 = tpu.vector_load_idx %arg7[%add3A_670] : memref<16384xf32, #tpu.memory_space<vmem>>[vector<16xi32>], vector<16xf32>,
        %add3A_672 = vector.broadcast %squeeze3A_662 : i32 to vector<16xi32>
        %add3A_673 = arith.addi %add3A_672, %add3A_72 : vector<16xi32>
        %gather3A_674 = tpu.vector_load_idx %arg7[%add3A_673] : memref<16384xf32, #tpu.memory_space<vmem>>[vector<16xi32>], vector<16xf32>,
        %slice3A_675 = vector.extract_strided_slice %mul3A_228 {offsets = [15], sizes = [1], strides = [1]} : vector<16xi32> to vector<1xi32>
        %squeeze3A_676 = vector.extract %slice3A_675[0] : i32 from vector<1xi32>
        %add3A_677 = vector.broadcast %squeeze3A_676 : i32 to vector<16xi32>
        %add3A_678 = arith.addi %add3A_677, %add3A_63 : vector<16xi32>
        %gather3A_679 = tpu.vector_load_idx %arg7[%add3A_678] : memref<16384xf32, #tpu.memory_space<vmem>>[vector<16xi32>], vector<16xf32>,
        %add3A_680 = vector.broadcast %squeeze3A_676 : i32 to vector<16xi32>
        %add3A_681 = arith.addi %add3A_680, %add3A_66 : vector<16xi32>
        %gather3A_682 = tpu.vector_load_idx %arg7[%add3A_681] : memref<16384xf32, #tpu.memory_space<vmem>>[vector<16xi32>], vector<16xf32>,
        %add3A_683 = vector.broadcast %squeeze3A_676 : i32 to vector<16xi32>
        %add3A_684 = arith.addi %add3A_683, %add3A_69 : vector<16xi32>
        %gather3A_685 = tpu.vector_load_idx %arg7[%add3A_684] : memref<16384xf32, #tpu.memory_space<vmem>>[vector<16xi32>], vector<16xf32>,
        %add3A_686 = vector.broadcast %squeeze3A_676 : i32 to vector<16xi32>
        %add3A_687 = arith.addi %add3A_686, %add3A_72 : vector<16xi32>
        %gather3A_688 = tpu.vector_load_idx %arg7[%add3A_687] : memref<16384xf32, #tpu.memory_space<vmem>>[vector<16xi32>], vector<16xf32>,
        %add3A_689 = arith.constant 12 : i32
        %add3A_690 = arith.addi %mul3A_221, %add3A_689 : i32
        %swap3A_691 = arith.index_cast %add3A_690 : i32 to index
        %swap3A_692 = arith.constant 0 : index
        %swap3A_693 = tpu.vector_load %arg8[%swap3A_691, %swap3A_692] {strides = array<i32>} : memref<256x64xf32, #tpu.memory_space<vmem>>, vector<16xf32>,
        tpu.vector_store %arg8[%swap3A_691, %swap3A_692], %gather3A_637 {strides = array<i32>} : memref<256x64xf32, #tpu.memory_space<vmem>>, vector<16xf32>,
        %add3A_694 = arith.constant 12 : i32
        %add3A_695 = arith.addi %mul3A_221, %add3A_694 : i32
        %swap3A_696 = arith.index_cast %add3A_695 : i32 to index
        %swap3A_697 = arith.constant 16 : index
        %swap3A_698 = tpu.vector_load %arg8[%swap3A_696, %swap3A_697] {strides = array<i32>} : memref<256x64xf32, #tpu.memory_space<vmem>>, vector<16xf32>,
        tpu.vector_store %arg8[%swap3A_696, %swap3A_697], %gather3A_640 {strides = array<i32>} : memref<256x64xf32, #tpu.memory_space<vmem>>, vector<16xf32>,
        %add3A_699 = arith.constant 12 : i32
        %add3A_700 = arith.addi %mul3A_221, %add3A_699 : i32
        %swap3A_701 = arith.index_cast %add3A_700 : i32 to index
        %swap3A_702 = arith.constant 32 : index
        %swap3A_703 = tpu.vector_load %arg8[%swap3A_701, %swap3A_702] {strides = array<i32>} : memref<256x64xf32, #tpu.memory_space<vmem>>, vector<16xf32>,
        tpu.vector_store %arg8[%swap3A_701, %swap3A_702], %gather3A_643 {strides = array<i32>} : memref<256x64xf32, #tpu.memory_space<vmem>>, vector<16xf32>,
        %add3A_704 = arith.constant 12 : i32
        %add3A_705 = arith.addi %mul3A_221, %add3A_704 : i32
        %swap3A_706 = arith.index_cast %add3A_705 : i32 to index
        %swap3A_707 = arith.constant 48 : index
        %swap3A_708 = tpu.vector_load %arg8[%swap3A_706, %swap3A_707] {strides = array<i32>} : memref<256x64xf32, #tpu.memory_space<vmem>>, vector<16xf32>,
        tpu.vector_store %arg8[%swap3A_706, %swap3A_707], %gather3A_646 {strides = array<i32>} : memref<256x64xf32, #tpu.memory_space<vmem>>, vector<16xf32>,
        %add3A_709 = arith.constant 13 : i32
        %add3A_710 = arith.addi %mul3A_221, %add3A_709 : i32
        %swap3A_711 = arith.index_cast %add3A_710 : i32 to index
        %swap3A_712 = arith.constant 0 : index
        %swap3A_713 = tpu.vector_load %arg8[%swap3A_711, %swap3A_712] {strides = array<i32>} : memref<256x64xf32, #tpu.memory_space<vmem>>, vector<16xf32>,
        tpu.vector_store %arg8[%swap3A_711, %swap3A_712], %gather3A_651 {strides = array<i32>} : memref<256x64xf32, #tpu.memory_space<vmem>>, vector<16xf32>,
        %add3A_714 = arith.constant 13 : i32
        %add3A_715 = arith.addi %mul3A_221, %add3A_714 : i32
        %swap3A_716 = arith.index_cast %add3A_715 : i32 to index
        %swap3A_717 = arith.constant 16 : index
        %swap3A_718 = tpu.vector_load %arg8[%swap3A_716, %swap3A_717] {strides = array<i32>} : memref<256x64xf32, #tpu.memory_space<vmem>>, vector<16xf32>,
        tpu.vector_store %arg8[%swap3A_716, %swap3A_717], %gather3A_654 {strides = array<i32>} : memref<256x64xf32, #tpu.memory_space<vmem>>, vector<16xf32>,
        %add3A_719 = arith.constant 13 : i32
        %add3A_720 = arith.addi %mul3A_221, %add3A_719 : i32
        %swap3A_721 = arith.index_cast %add3A_720 : i32 to index
        %swap3A_722 = arith.constant 32 : index
        %swap3A_723 = tpu.vector_load %arg8[%swap3A_721, %swap3A_722] {strides = array<i32>} : memref<256x64xf32, #tpu.memory_space<vmem>>, vector<16xf32>,
        tpu.vector_store %arg8[%swap3A_721, %swap3A_722], %gather3A_657 {strides = array<i32>} : memref<256x64xf32, #tpu.memory_space<vmem>>, vector<16xf32>,
        %add3A_724 = arith.constant 13 : i32
        %add3A_725 = arith.addi %mul3A_221, %add3A_724 : i32
        %swap3A_726 = arith.index_cast %add3A_725 : i32 to index
        %swap3A_727 = arith.constant 48 : index
        %swap3A_728 = tpu.vector_load %arg8[%swap3A_726, %swap3A_727] {strides = array<i32>} : memref<256x64xf32, #tpu.memory_space<vmem>>, vector<16xf32>,
        tpu.vector_store %arg8[%swap3A_726, %swap3A_727], %gather3A_660 {strides = array<i32>} : memref<256x64xf32, #tpu.memory_space<vmem>>, vector<16xf32>,
        %add3A_729 = arith.constant 14 : i32
        %add3A_730 = arith.addi %mul3A_221, %add3A_729 : i32
        %swap3A_731 = arith.index_cast %add3A_730 : i32 to index
        %swap3A_732 = arith.constant 0 : index
        %swap3A_733 = tpu.vector_load %arg8[%swap3A_731, %swap3A_732] {strides = array<i32>} : memref<256x64xf32, #tpu.memory_space<vmem>>, vector<16xf32>,
        tpu.vector_store %arg8[%swap3A_731, %swap3A_732], %gather3A_665 {strides = array<i32>} : memref<256x64xf32, #tpu.memory_space<vmem>>, vector<16xf32>,
        %add3A_734 = arith.constant 14 : i32
        %add3A_735 = arith.addi %mul3A_221, %add3A_734 : i32
        %swap3A_736 = arith.index_cast %add3A_735 : i32 to index
        %swap3A_737 = arith.constant 16 : index
        %swap3A_738 = tpu.vector_load %arg8[%swap3A_736, %swap3A_737] {strides = array<i32>} : memref<256x64xf32, #tpu.memory_space<vmem>>, vector<16xf32>,
        tpu.vector_store %arg8[%swap3A_736, %swap3A_737], %gather3A_668 {strides = array<i32>} : memref<256x64xf32, #tpu.memory_space<vmem>>, vector<16xf32>,
        %add3A_739 = arith.constant 14 : i32
        %add3A_740 = arith.addi %mul3A_221, %add3A_739 : i32
        %swap3A_741 = arith.index_cast %add3A_740 : i32 to index
        %swap3A_742 = arith.constant 32 : index
        %swap3A_743 = tpu.vector_load %arg8[%swap3A_741, %swap3A_742] {strides = array<i32>} : memref<256x64xf32, #tpu.memory_space<vmem>>, vector<16xf32>,
        tpu.vector_store %arg8[%swap3A_741, %swap3A_742], %gather3A_671 {strides = array<i32>} : memref<256x64xf32, #tpu.memory_space<vmem>>, vector<16xf32>,
        %add3A_744 = arith.constant 14 : i32
        %add3A_745 = arith.addi %mul3A_221, %add3A_744 : i32
        %swap3A_746 = arith.index_cast %add3A_745 : i32 to index
        %swap3A_747 = arith.constant 48 : index
        %swap3A_748 = tpu.vector_load %arg8[%swap3A_746, %swap3A_747] {strides = array<i32>} : memref<256x64xf32, #tpu.memory_space<vmem>>, vector<16xf32>,
        tpu.vector_store %arg8[%swap3A_746, %swap3A_747], %gather3A_674 {strides = array<i32>} : memref<256x64xf32, #tpu.memory_space<vmem>>, vector<16xf32>,
        %add3A_749 = arith.constant 15 : i32
        %add3A_750 = arith.addi %mul3A_221, %add3A_749 : i32
        %swap3A_751 = arith.index_cast %add3A_750 : i32 to index
        %swap3A_752 = arith.constant 0 : index
        %swap3A_753 = tpu.vector_load %arg8[%swap3A_751, %swap3A_752] {strides = array<i32>} : memref<256x64xf32, #tpu.memory_space<vmem>>, vector<16xf32>,
        tpu.vector_store %arg8[%swap3A_751, %swap3A_752], %gather3A_679 {strides = array<i32>} : memref<256x64xf32, #tpu.memory_space<vmem>>, vector<16xf32>,
        %add3A_754 = arith.constant 15 : i32
        %add3A_755 = arith.addi %mul3A_221, %add3A_754 : i32
        %swap3A_756 = arith.index_cast %add3A_755 : i32 to index
        %swap3A_757 = arith.constant 16 : index
        %swap3A_758 = tpu.vector_load %arg8[%swap3A_756, %swap3A_757] {strides = array<i32>} : memref<256x64xf32, #tpu.memory_space<vmem>>, vector<16xf32>,
        tpu.vector_store %arg8[%swap3A_756, %swap3A_757], %gather3A_682 {strides = array<i32>} : memref<256x64xf32, #tpu.memory_space<vmem>>, vector<16xf32>,
        %add3A_759 = arith.constant 15 : i32
        %add3A_760 = arith.addi %mul3A_221, %add3A_759 : i32
        %swap3A_761 = arith.index_cast %add3A_760 : i32 to index
        %swap3A_762 = arith.constant 32 : index
        %swap3A_763 = tpu.vector_load %arg8[%swap3A_761, %swap3A_762] {strides = array<i32>} : memref<256x64xf32, #tpu.memory_space<vmem>>, vector<16xf32>,
        tpu.vector_store %arg8[%swap3A_761, %swap3A_762], %gather3A_685 {strides = array<i32>} : memref<256x64xf32, #tpu.memory_space<vmem>>, vector<16xf32>,
        %add3A_764 = arith.constant 15 : i32
        %add3A_765 = arith.addi %mul3A_221, %add3A_764 : i32
        %swap3A_766 = arith.index_cast %add3A_765 : i32 to index
        %swap3A_767 = arith.constant 48 : index
        %swap3A_768 = tpu.vector_load %arg8[%swap3A_766, %swap3A_767] {strides = array<i32>} : memref<256x64xf32, #tpu.memory_space<vmem>>, vector<16xf32>,
        tpu.vector_store %arg8[%swap3A_766, %swap3A_767], %gather3A_688 {strides = array<i32>} : memref<256x64xf32, #tpu.memory_space<vmem>>, vector<16xf32>,
      }
      %scan3A_138 = arith.constant 16 : i32
      %mul3A_139 = arith.constant 2 : i32
      %mul3A_140 = arith.muli %add3A_130, %mul3A_139 : i32
      %add3A_141 = arith.constant 0 : i32
      %add3A_142 = arith.addi %mul3A_140, %add3A_141 : i32
      %mul3A_143 = arith.constant 4096 : i32
      %mul3A_144 = arith.muli %add3A_142, %mul3A_143 : i32
      %add3A_145 = arith.addi %mul3A_144, %mul3A_2 : i32
      %dma_start3A = arith.constant 0 : i32
      %dma_start3A_146 = arith.constant 0 : i32
      %dma_start3A_147 = tpu.memref_slice %arg8[%dma_start3A, %dma_start3A_146] : memref<256x64xf32, #tpu.memory_space<vmem>> -> memref<128x64xf32, #tpu.memory_space<vmem>>
      %dma_start3A_148 = arith.constant 0 : i32
      %dma_start3A_149 = tpu.memref_slice %arg4[%add3A_145, %dma_start3A_148] : memref<819200x64xf32, #tpu.memory_space<hbm>> -> memref<128x64xf32, #tpu.memory_space<hbm>>
      %dma_start3A_150 = arith.constant 0 : i32
      %dma_start3A_151 = tpu.memref_slice %arg4[%add3A_145, %dma_start3A_150] : memref<819200x64xf32, #tpu.memory_space<hbm>> -> memref<128x64xf32, #tpu.memory_space<hbm>>
      %dma_start3A_152 = arith.constant 0 : i32
      %dma_start3A_153 = arith.constant 0 : i32
      %dma_start3A_154 = tpu.memref_slice %arg8[%dma_start3A_152, %dma_start3A_153] : memref<256x64xf32, #tpu.memory_space<vmem>> -> memref<128x64xf32, #tpu.memory_space<vmem>>
      tpu.enqueue_dma source(%dma_start3A_154 : memref<128x64xf32, #tpu.memory_space<vmem>>) target(%dma_start3A_151 : memref<128x64xf32, #tpu.memory_space<hbm>>) target_semaphore(%arg10 : memref<!tpu.dma_semaphore, #tpu.memory_space<semaphore_mem>>)
      %mul3A_155 = arith.constant 2 : i32
      %mul3A_156 = arith.muli %add3A_130, %mul3A_155 : i32
      %add3A_157 = arith.constant 1 : i32
      %add3A_158 = arith.addi %mul3A_156, %add3A_157 : i32
      %mul3A_159 = arith.constant 4096 : i32
      %mul3A_160 = arith.muli %add3A_158, %mul3A_159 : i32
      %add3A_161 = arith.addi %mul3A_160, %mul3A_2 : i32
      %dma_start3A_162 = arith.constant 128 : i32
      %dma_start3A_163 = arith.constant 0 : i32
      %dma_start3A_164 = tpu.memref_slice %arg8[%dma_start3A_162, %dma_start3A_163] : memref<256x64xf32, #tpu.memory_space<vmem>> -> memref<128x64xf32, #tpu.memory_space<vmem>>
      %dma_start3A_165 = arith.constant 0 : i32
      %dma_start3A_166 = tpu.memref_slice %arg4[%add3A_161, %dma_start3A_165] : memref<819200x64xf32, #tpu.memory_space<hbm>> -> memref<128x64xf32, #tpu.memory_space<hbm>>
      %dma_start3A_167 = arith.constant 0 : i32
      %dma_start3A_168 = tpu.memref_slice %arg4[%add3A_161, %dma_start3A_167] : memref<819200x64xf32, #tpu.memory_space<hbm>> -> memref<128x64xf32, #tpu.memory_space<hbm>>
      %dma_start3A_169 = arith.constant 128 : i32
      %dma_start3A_170 = arith.constant 0 : i32
      %dma_start3A_171 = tpu.memref_slice %arg8[%dma_start3A_169, %dma_start3A_170] : memref<256x64xf32, #tpu.memory_space<vmem>> -> memref<128x64xf32, #tpu.memory_space<vmem>>
      tpu.enqueue_dma source(%dma_start3A_171 : memref<128x64xf32, #tpu.memory_space<vmem>>) target(%dma_start3A_168 : memref<128x64xf32, #tpu.memory_space<hbm>>) target_semaphore(%arg10 : memref<!tpu.dma_semaphore, #tpu.memory_space<semaphore_mem>>)
      %add3A_172 = arith.constant 1 : i32
      %add3A_173 = arith.addi %mul3A_128, %add3A_172 : i32
      %gt3A_174 = arith.constant 0 : i32
      %gt3A_175 = arith.cmpi sgt, %scan3A_126, %gt3A_174 : i32
      %convert_element_type3A_176 = arith.extui %gt3A_175 : i1 to i32
      %cond3A_177 = arith.constant 0 : i32
      %cond3A_178 = arith.cmpi ne, %convert_element_type3A_176, %cond3A_177 : i32
      scf.if %cond3A_178 {
        %sub3A = arith.constant 2 : i32
        %sub3A_219 = arith.subi %add3A_173, %sub3A : i32
        %mul3A_220 = arith.constant 2 : i32
        %mul3A_221 = arith.muli %sub3A_219, %mul3A_220 : i32
        %add3A_222 = arith.constant 0 : i32
        %add3A_223 = arith.addi %mul3A_221, %add3A_222 : i32
        %mul3A_224 = arith.constant 4096 : i32
        %mul3A_225 = arith.muli %add3A_223, %mul3A_224 : i32
        %add3A_226 = arith.addi %mul3A_225, %mul3A_2 : i32
        %dma_wait3A_227 = arith.constant 0 : i32
        %dma_wait3A_228 = arith.constant 0 : i32
        %dma_wait3A_229 = tpu.memref_slice %arg9[%dma_wait3A_227, %dma_wait3A_228] : memref<256x64xf32, #tpu.memory_space<vmem>> -> memref<128x64xf32, #tpu.memory_space<vmem>>
        %dma_wait3A_230 = arith.constant 0 : i32
        %dma_wait3A_231 = tpu.memref_slice %arg4[%add3A_226, %dma_wait3A_230] : memref<819200x64xf32, #tpu.memory_space<hbm>> -> memref<128x64xf32, #tpu.memory_space<hbm>>
        %dma_wait3A_232 = arith.constant 0 : i32
        %dma_wait3A_233 = tpu.memref_slice %arg4[%add3A_226, %dma_wait3A_232] : memref<819200x64xf32, #tpu.memory_space<hbm>> -> memref<128x64xf32, #tpu.memory_space<hbm>>
        %dma_wait3A_234 = arith.constant 0 : i32
        %dma_wait3A_235 = arith.constant 0 : i32
        %dma_wait3A_236 = tpu.memref_slice %arg9[%dma_wait3A_234, %dma_wait3A_235] : memref<256x64xf32, #tpu.memory_space<vmem>> -> memref<128x64xf32, #tpu.memory_space<vmem>>
        tpu.wait_dma2 semaphore(%arg11 : memref<!tpu.dma_semaphore, #tpu.memory_space<semaphore_mem>>) src(%dma_wait3A_236 : memref<128x64xf32, #tpu.memory_space<vmem>>) dst(%dma_wait3A_233 : memref<128x64xf32, #tpu.memory_space<hbm>>)
        %mul3A_237 = arith.constant 2 : i32
        %mul3A_238 = arith.muli %sub3A_219, %mul3A_237 : i32
        %add3A_239 = arith.constant 1 : i32
        %add3A_240 = arith.addi %mul3A_238, %add3A_239 : i32
        %mul3A_241 = arith.constant 4096 : i32
        %mul3A_242 = arith.muli %add3A_240, %mul3A_241 : i32
        %add3A_243 = arith.addi %mul3A_242, %mul3A_2 : i32
        %dma_wait3A_244 = arith.constant 128 : i32
        %dma_wait3A_245 = arith.constant 0 : i32
        %dma_wait3A_246 = tpu.memref_slice %arg9[%dma_wait3A_244, %dma_wait3A_245] : memref<256x64xf32, #tpu.memory_space<vmem>> -> memref<128x64xf32, #tpu.memory_space<vmem>>
        %dma_wait3A_247 = arith.constant 0 : i32
        %dma_wait3A_248 = tpu.memref_slice %arg4[%add3A_243, %dma_wait3A_247] : memref<819200x64xf32, #tpu.memory_space<hbm>> -> memref<128x64xf32, #tpu.memory_space<hbm>>
        %dma_wait3A_249 = arith.constant 0 : i32
        %dma_wait3A_250 = tpu.memref_slice %arg4[%add3A_243, %dma_wait3A_249] : memref<819200x64xf32, #tpu.memory_space<hbm>> -> memref<128x64xf32, #tpu.memory_space<hbm>>
        %dma_wait3A_251 = arith.constant 128 : i32
        %dma_wait3A_252 = arith.constant 0 : i32
        %dma_wait3A_253 = tpu.memref_slice %arg9[%dma_wait3A_251, %dma_wait3A_252] : memref<256x64xf32, #tpu.memory_space<vmem>> -> memref<128x64xf32, #tpu.memory_space<vmem>>
        tpu.wait_dma2 semaphore(%arg11 : memref<!tpu.dma_semaphore, #tpu.memory_space<semaphore_mem>>) src(%dma_wait3A_253 : memref<128x64xf32, #tpu.memory_space<vmem>>) dst(%dma_wait3A_250 : memref<128x64xf32, #tpu.memory_space<hbm>>)
      } else {
      }
      %scan3A_179 = arith.constant 0 : i32
      %scan3A_180 = arith.constant 0 : i32
      %scan3A_181 = arith.constant 16 : i32
      %scan3A_182 = arith.addi %scan3A_180, %scan3A_181 : i32
      %scan3A_183 = arith.constant 1 : i32
      scf.for %scan3A_219 = %scan3A_180 to %scan3A_182 step %scan3A_183  : i32 {
        %mul3A_220 = arith.constant 16 : i32
        %mul3A_221 = arith.muli %scan3A_219, %mul3A_220 : i32
        %mul3A_222 = arith.constant 256 : i32
        %mul3A_223 = arith.muli %add3A_173, %mul3A_222 : i32
        %add3A_224 = arith.addi %mul3A_223, %mul3A_221 : i32
        %get3A = arith.index_cast %add3A_224 : i32 to index
        %get3A_225 = tpu.vector_load %arg6[%get3A] {strides = array<i32>} : memref<25600xi32, #tpu.memory_space<vmem>>, vector<16xi32>,
        %mul3A_226 = arith.constant 64 : i32
        %mul3A_227 = vector.broadcast %mul3A_226 : i32 to vector<16xi32>
        %mul3A_228 = arith.muli %get3A_225, %mul3A_227 : vector<16xi32>
        %slice3A = vector.extract_strided_slice %mul3A_228 {offsets = [0], sizes = [1], strides = [1]} : vector<16xi32> to vector<1xi32>
        %squeeze3A = vector.extract %slice3A[0] : i32 from vector<1xi32>
        %add3A_229 = vector.broadcast %squeeze3A : i32 to vector<16xi32>
        %add3A_230 = arith.addi %add3A_229, %add3A_63 : vector<16xi32>
        %gather3A = tpu.vector_load_idx %arg7[%add3A_230] : memref<16384xf32, #tpu.memory_space<vmem>>[vector<16xi32>], vector<16xf32>,
        %add3A_231 = vector.broadcast %squeeze3A : i32 to vector<16xi32>
        %add3A_232 = arith.addi %add3A_231, %add3A_66 : vector<16xi32>
        %gather3A_233 = tpu.vector_load_idx %arg7[%add3A_232] : memref<16384xf32, #tpu.memory_space<vmem>>[vector<16xi32>], vector<16xf32>,
        %add3A_234 = vector.broadcast %squeeze3A : i32 to vector<16xi32>
        %add3A_235 = arith.addi %add3A_234, %add3A_69 : vector<16xi32>
        %gather3A_236 = tpu.vector_load_idx %arg7[%add3A_235] : memref<16384xf32, #tpu.memory_space<vmem>>[vector<16xi32>], vector<16xf32>,
        %add3A_237 = vector.broadcast %squeeze3A : i32 to vector<16xi32>
        %add3A_238 = arith.addi %add3A_237, %add3A_72 : vector<16xi32>
        %gather3A_239 = tpu.vector_load_idx %arg7[%add3A_238] : memref<16384xf32, #tpu.memory_space<vmem>>[vector<16xi32>], vector<16xf32>,
        %slice3A_240 = vector.extract_strided_slice %mul3A_228 {offsets = [1], sizes = [1], strides = [1]} : vector<16xi32> to vector<1xi32>
        %squeeze3A_241 = vector.extract %slice3A_240[0] : i32 from vector<1xi32>
        %add3A_242 = vector.broadcast %squeeze3A_241 : i32 to vector<16xi32>
        %add3A_243 = arith.addi %add3A_242, %add3A_63 : vector<16xi32>
        %gather3A_244 = tpu.vector_load_idx %arg7[%add3A_243] : memref<16384xf32, #tpu.memory_space<vmem>>[vector<16xi32>], vector<16xf32>,
        %add3A_245 = vector.broadcast %squeeze3A_241 : i32 to vector<16xi32>
        %add3A_246 = arith.addi %add3A_245, %add3A_66 : vector<16xi32>
        %gather3A_247 = tpu.vector_load_idx %arg7[%add3A_246] : memref<16384xf32, #tpu.memory_space<vmem>>[vector<16xi32>], vector<16xf32>,
        %add3A_248 = vector.broadcast %squeeze3A_241 : i32 to vector<16xi32>
        %add3A_249 = arith.addi %add3A_248, %add3A_69 : vector<16xi32>
        %gather3A_250 = tpu.vector_load_idx %arg7[%add3A_249] : memref<16384xf32, #tpu.memory_space<vmem>>[vector<16xi32>], vector<16xf32>,
        %add3A_251 = vector.broadcast %squeeze3A_241 : i32 to vector<16xi32>
        %add3A_252 = arith.addi %add3A_251, %add3A_72 : vector<16xi32>
        %gather3A_253 = tpu.vector_load_idx %arg7[%add3A_252] : memref<16384xf32, #tpu.memory_space<vmem>>[vector<16xi32>], vector<16xf32>,
        %slice3A_254 = vector.extract_strided_slice %mul3A_228 {offsets = [2], sizes = [1], strides = [1]} : vector<16xi32> to vector<1xi32>
        %squeeze3A_255 = vector.extract %slice3A_254[0] : i32 from vector<1xi32>
        %add3A_256 = vector.broadcast %squeeze3A_255 : i32 to vector<16xi32>
        %add3A_257 = arith.addi %add3A_256, %add3A_63 : vector<16xi32>
        %gather3A_258 = tpu.vector_load_idx %arg7[%add3A_257] : memref<16384xf32, #tpu.memory_space<vmem>>[vector<16xi32>], vector<16xf32>,
        %add3A_259 = vector.broadcast %squeeze3A_255 : i32 to vector<16xi32>
        %add3A_260 = arith.addi %add3A_259, %add3A_66 : vector<16xi32>
        %gather3A_261 = tpu.vector_load_idx %arg7[%add3A_260] : memref<16384xf32, #tpu.memory_space<vmem>>[vector<16xi32>], vector<16xf32>,
        %add3A_262 = vector.broadcast %squeeze3A_255 : i32 to vector<16xi32>
        %add3A_263 = arith.addi %add3A_262, %add3A_69 : vector<16xi32>
        %gather3A_264 = tpu.vector_load_idx %arg7[%add3A_263] : memref<16384xf32, #tpu.memory_space<vmem>>[vector<16xi32>], vector<16xf32>,
        %add3A_265 = vector.broadcast %squeeze3A_255 : i32 to vector<16xi32>
        %add3A_266 = arith.addi %add3A_265, %add3A_72 : vector<16xi32>
        %gather3A_267 = tpu.vector_load_idx %arg7[%add3A_266] : memref<16384xf32, #tpu.memory_space<vmem>>[vector<16xi32>], vector<16xf32>,
        %slice3A_268 = vector.extract_strided_slice %mul3A_228 {offsets = [3], sizes = [1], strides = [1]} : vector<16xi32> to vector<1xi32>
        %squeeze3A_269 = vector.extract %slice3A_268[0] : i32 from vector<1xi32>
        %add3A_270 = vector.broadcast %squeeze3A_269 : i32 to vector<16xi32>
        %add3A_271 = arith.addi %add3A_270, %add3A_63 : vector<16xi32>
        %gather3A_272 = tpu.vector_load_idx %arg7[%add3A_271] : memref<16384xf32, #tpu.memory_space<vmem>>[vector<16xi32>], vector<16xf32>,
        %add3A_273 = vector.broadcast %squeeze3A_269 : i32 to vector<16xi32>
        %add3A_274 = arith.addi %add3A_273, %add3A_66 : vector<16xi32>
        %gather3A_275 = tpu.vector_load_idx %arg7[%add3A_274] : memref<16384xf32, #tpu.memory_space<vmem>>[vector<16xi32>], vector<16xf32>,
        %add3A_276 = vector.broadcast %squeeze3A_269 : i32 to vector<16xi32>
        %add3A_277 = arith.addi %add3A_276, %add3A_69 : vector<16xi32>
        %gather3A_278 = tpu.vector_load_idx %arg7[%add3A_277] : memref<16384xf32, #tpu.memory_space<vmem>>[vector<16xi32>], vector<16xf32>,
        %add3A_279 = vector.broadcast %squeeze3A_269 : i32 to vector<16xi32>
        %add3A_280 = arith.addi %add3A_279, %add3A_72 : vector<16xi32>
        %gather3A_281 = tpu.vector_load_idx %arg7[%add3A_280] : memref<16384xf32, #tpu.memory_space<vmem>>[vector<16xi32>], vector<16xf32>,
        %add3A_282 = arith.constant 0 : i32
        %add3A_283 = arith.addi %mul3A_221, %add3A_282 : i32
        %swap3A = arith.index_cast %add3A_283 : i32 to index
        %swap3A_284 = arith.constant 0 : index
        %swap3A_285 = tpu.vector_load %arg9[%swap3A, %swap3A_284] {strides = array<i32>} : memref<256x64xf32, #tpu.memory_space<vmem>>, vector<16xf32>,
        tpu.vector_store %arg9[%swap3A, %swap3A_284], %gather3A {strides = array<i32>} : memref<256x64xf32, #tpu.memory_space<vmem>>, vector<16xf32>,
        %add3A_286 = arith.constant 0 : i32
        %add3A_287 = arith.addi %mul3A_221, %add3A_286 : i32
        %swap3A_288 = arith.index_cast %add3A_287 : i32 to index
        %swap3A_289 = arith.constant 16 : index
        %swap3A_290 = tpu.vector_load %arg9[%swap3A_288, %swap3A_289] {strides = array<i32>} : memref<256x64xf32, #tpu.memory_space<vmem>>, vector<16xf32>,
        tpu.vector_store %arg9[%swap3A_288, %swap3A_289], %gather3A_233 {strides = array<i32>} : memref<256x64xf32, #tpu.memory_space<vmem>>, vector<16xf32>,
        %add3A_291 = arith.constant 0 : i32
        %add3A_292 = arith.addi %mul3A_221, %add3A_291 : i32
        %swap3A_293 = arith.index_cast %add3A_292 : i32 to index
        %swap3A_294 = arith.constant 32 : index
        %swap3A_295 = tpu.vector_load %arg9[%swap3A_293, %swap3A_294] {strides = array<i32>} : memref<256x64xf32, #tpu.memory_space<vmem>>, vector<16xf32>,
        tpu.vector_store %arg9[%swap3A_293, %swap3A_294], %gather3A_236 {strides = array<i32>} : memref<256x64xf32, #tpu.memory_space<vmem>>, vector<16xf32>,
        %add3A_296 = arith.constant 0 : i32
        %add3A_297 = arith.addi %mul3A_221, %add3A_296 : i32
        %swap3A_298 = arith.index_cast %add3A_297 : i32 to index
        %swap3A_299 = arith.constant 48 : index
        %swap3A_300 = tpu.vector_load %arg9[%swap3A_298, %swap3A_299] {strides = array<i32>} : memref<256x64xf32, #tpu.memory_space<vmem>>, vector<16xf32>,
        tpu.vector_store %arg9[%swap3A_298, %swap3A_299], %gather3A_239 {strides = array<i32>} : memref<256x64xf32, #tpu.memory_space<vmem>>, vector<16xf32>,
        %add3A_301 = arith.constant 1 : i32
        %add3A_302 = arith.addi %mul3A_221, %add3A_301 : i32
        %swap3A_303 = arith.index_cast %add3A_302 : i32 to index
        %swap3A_304 = arith.constant 0 : index
        %swap3A_305 = tpu.vector_load %arg9[%swap3A_303, %swap3A_304] {strides = array<i32>} : memref<256x64xf32, #tpu.memory_space<vmem>>, vector<16xf32>,
        tpu.vector_store %arg9[%swap3A_303, %swap3A_304], %gather3A_244 {strides = array<i32>} : memref<256x64xf32, #tpu.memory_space<vmem>>, vector<16xf32>,
        %add3A_306 = arith.constant 1 : i32
        %add3A_307 = arith.addi %mul3A_221, %add3A_306 : i32
        %swap3A_308 = arith.index_cast %add3A_307 : i32 to index
        %swap3A_309 = arith.constant 16 : index
        %swap3A_310 = tpu.vector_load %arg9[%swap3A_308, %swap3A_309] {strides = array<i32>} : memref<256x64xf32, #tpu.memory_space<vmem>>, vector<16xf32>,
        tpu.vector_store %arg9[%swap3A_308, %swap3A_309], %gather3A_247 {strides = array<i32>} : memref<256x64xf32, #tpu.memory_space<vmem>>, vector<16xf32>,
        %add3A_311 = arith.constant 1 : i32
        %add3A_312 = arith.addi %mul3A_221, %add3A_311 : i32
        %swap3A_313 = arith.index_cast %add3A_312 : i32 to index
        %swap3A_314 = arith.constant 32 : index
        %swap3A_315 = tpu.vector_load %arg9[%swap3A_313, %swap3A_314] {strides = array<i32>} : memref<256x64xf32, #tpu.memory_space<vmem>>, vector<16xf32>,
        tpu.vector_store %arg9[%swap3A_313, %swap3A_314], %gather3A_250 {strides = array<i32>} : memref<256x64xf32, #tpu.memory_space<vmem>>, vector<16xf32>,
        %add3A_316 = arith.constant 1 : i32
        %add3A_317 = arith.addi %mul3A_221, %add3A_316 : i32
        %swap3A_318 = arith.index_cast %add3A_317 : i32 to index
        %swap3A_319 = arith.constant 48 : index
        %swap3A_320 = tpu.vector_load %arg9[%swap3A_318, %swap3A_319] {strides = array<i32>} : memref<256x64xf32, #tpu.memory_space<vmem>>, vector<16xf32>,
        tpu.vector_store %arg9[%swap3A_318, %swap3A_319], %gather3A_253 {strides = array<i32>} : memref<256x64xf32, #tpu.memory_space<vmem>>, vector<16xf32>,
        %add3A_321 = arith.constant 2 : i32
        %add3A_322 = arith.addi %mul3A_221, %add3A_321 : i32
        %swap3A_323 = arith.index_cast %add3A_322 : i32 to index
        %swap3A_324 = arith.constant 0 : index
        %swap3A_325 = tpu.vector_load %arg9[%swap3A_323, %swap3A_324] {strides = array<i32>} : memref<256x64xf32, #tpu.memory_space<vmem>>, vector<16xf32>,
        tpu.vector_store %arg9[%swap3A_323, %swap3A_324], %gather3A_258 {strides = array<i32>} : memref<256x64xf32, #tpu.memory_space<vmem>>, vector<16xf32>,
        %add3A_326 = arith.constant 2 : i32
        %add3A_327 = arith.addi %mul3A_221, %add3A_326 : i32
        %swap3A_328 = arith.index_cast %add3A_327 : i32 to index
        %swap3A_329 = arith.constant 16 : index
        %swap3A_330 = tpu.vector_load %arg9[%swap3A_328, %swap3A_329] {strides = array<i32>} : memref<256x64xf32, #tpu.memory_space<vmem>>, vector<16xf32>,
        tpu.vector_store %arg9[%swap3A_328, %swap3A_329], %gather3A_261 {strides = array<i32>} : memref<256x64xf32, #tpu.memory_space<vmem>>, vector<16xf32>,
        %add3A_331 = arith.constant 2 : i32
        %add3A_332 = arith.addi %mul3A_221, %add3A_331 : i32
        %swap3A_333 = arith.index_cast %add3A_332 : i32 to index
        %swap3A_334 = arith.constant 32 : index
        %swap3A_335 = tpu.vector_load %arg9[%swap3A_333, %swap3A_334] {strides = array<i32>} : memref<256x64xf32, #tpu.memory_space<vmem>>, vector<16xf32>,
        tpu.vector_store %arg9[%swap3A_333, %swap3A_334], %gather3A_264 {strides = array<i32>} : memref<256x64xf32, #tpu.memory_space<vmem>>, vector<16xf32>,
        %add3A_336 = arith.constant 2 : i32
        %add3A_337 = arith.addi %mul3A_221, %add3A_336 : i32
        %swap3A_338 = arith.index_cast %add3A_337 : i32 to index
        %swap3A_339 = arith.constant 48 : index
        %swap3A_340 = tpu.vector_load %arg9[%swap3A_338, %swap3A_339] {strides = array<i32>} : memref<256x64xf32, #tpu.memory_space<vmem>>, vector<16xf32>,
        tpu.vector_store %arg9[%swap3A_338, %swap3A_339], %gather3A_267 {strides = array<i32>} : memref<256x64xf32, #tpu.memory_space<vmem>>, vector<16xf32>,
        %add3A_341 = arith.constant 3 : i32
        %add3A_342 = arith.addi %mul3A_221, %add3A_341 : i32
        %swap3A_343 = arith.index_cast %add3A_342 : i32 to index
        %swap3A_344 = arith.constant 0 : index
        %swap3A_345 = tpu.vector_load %arg9[%swap3A_343, %swap3A_344] {strides = array<i32>} : memref<256x64xf32, #tpu.memory_space<vmem>>, vector<16xf32>,
        tpu.vector_store %arg9[%swap3A_343, %swap3A_344], %gather3A_272 {strides = array<i32>} : memref<256x64xf32, #tpu.memory_space<vmem>>, vector<16xf32>,
        %add3A_346 = arith.constant 3 : i32
        %add3A_347 = arith.addi %mul3A_221, %add3A_346 : i32
        %swap3A_348 = arith.index_cast %add3A_347 : i32 to index
        %swap3A_349 = arith.constant 16 : index
        %swap3A_350 = tpu.vector_load %arg9[%swap3A_348, %swap3A_349] {strides = array<i32>} : memref<256x64xf32, #tpu.memory_space<vmem>>, vector<16xf32>,
        tpu.vector_store %arg9[%swap3A_348, %swap3A_349], %gather3A_275 {strides = array<i32>} : memref<256x64xf32, #tpu.memory_space<vmem>>, vector<16xf32>,
        %add3A_351 = arith.constant 3 : i32
        %add3A_352 = arith.addi %mul3A_221, %add3A_351 : i32
        %swap3A_353 = arith.index_cast %add3A_352 : i32 to index
        %swap3A_354 = arith.constant 32 : index
        %swap3A_355 = tpu.vector_load %arg9[%swap3A_353, %swap3A_354] {strides = array<i32>} : memref<256x64xf32, #tpu.memory_space<vmem>>, vector<16xf32>,
        tpu.vector_store %arg9[%swap3A_353, %swap3A_354], %gather3A_278 {strides = array<i32>} : memref<256x64xf32, #tpu.memory_space<vmem>>, vector<16xf32>,
        %add3A_356 = arith.constant 3 : i32
        %add3A_357 = arith.addi %mul3A_221, %add3A_356 : i32
        %swap3A_358 = arith.index_cast %add3A_357 : i32 to index
        %swap3A_359 = arith.constant 48 : index
        %swap3A_360 = tpu.vector_load %arg9[%swap3A_358, %swap3A_359] {strides = array<i32>} : memref<256x64xf32, #tpu.memory_space<vmem>>, vector<16xf32>,
        tpu.vector_store %arg9[%swap3A_358, %swap3A_359], %gather3A_281 {strides = array<i32>} : memref<256x64xf32, #tpu.memory_space<vmem>>, vector<16xf32>,
        %slice3A_361 = vector.extract_strided_slice %mul3A_228 {offsets = [4], sizes = [1], strides = [1]} : vector<16xi32> to vector<1xi32>
        %squeeze3A_362 = vector.extract %slice3A_361[0] : i32 from vector<1xi32>
        %add3A_363 = vector.broadcast %squeeze3A_362 : i32 to vector<16xi32>
        %add3A_364 = arith.addi %add3A_363, %add3A_63 : vector<16xi32>
        %gather3A_365 = tpu.vector_load_idx %arg7[%add3A_364] : memref<16384xf32, #tpu.memory_space<vmem>>[vector<16xi32>], vector<16xf32>,
        %add3A_366 = vector.broadcast %squeeze3A_362 : i32 to vector<16xi32>
        %add3A_367 = arith.addi %add3A_366, %add3A_66 : vector<16xi32>
        %gather3A_368 = tpu.vector_load_idx %arg7[%add3A_367] : memref<16384xf32, #tpu.memory_space<vmem>>[vector<16xi32>], vector<16xf32>,
        %add3A_369 = vector.broadcast %squeeze3A_362 : i32 to vector<16xi32>
        %add3A_370 = arith.addi %add3A_369, %add3A_69 : vector<16xi32>
        %gather3A_371 = tpu.vector_load_idx %arg7[%add3A_370] : memref<16384xf32, #tpu.memory_space<vmem>>[vector<16xi32>], vector<16xf32>,
        %add3A_372 = vector.broadcast %squeeze3A_362 : i32 to vector<16xi32>
        %add3A_373 = arith.addi %add3A_372, %add3A_72 : vector<16xi32>
        %gather3A_374 = tpu.vector_load_idx %arg7[%add3A_373] : memref<16384xf32, #tpu.memory_space<vmem>>[vector<16xi32>], vector<16xf32>,
        %slice3A_375 = vector.extract_strided_slice %mul3A_228 {offsets = [5], sizes = [1], strides = [1]} : vector<16xi32> to vector<1xi32>
        %squeeze3A_376 = vector.extract %slice3A_375[0] : i32 from vector<1xi32>
        %add3A_377 = vector.broadcast %squeeze3A_376 : i32 to vector<16xi32>
        %add3A_378 = arith.addi %add3A_377, %add3A_63 : vector<16xi32>
        %gather3A_379 = tpu.vector_load_idx %arg7[%add3A_378] : memref<16384xf32, #tpu.memory_space<vmem>>[vector<16xi32>], vector<16xf32>,
        %add3A_380 = vector.broadcast %squeeze3A_376 : i32 to vector<16xi32>
        %add3A_381 = arith.addi %add3A_380, %add3A_66 : vector<16xi32>
        %gather3A_382 = tpu.vector_load_idx %arg7[%add3A_381] : memref<16384xf32, #tpu.memory_space<vmem>>[vector<16xi32>], vector<16xf32>,
        %add3A_383 = vector.broadcast %squeeze3A_376 : i32 to vector<16xi32>
        %add3A_384 = arith.addi %add3A_383, %add3A_69 : vector<16xi32>
        %gather3A_385 = tpu.vector_load_idx %arg7[%add3A_384] : memref<16384xf32, #tpu.memory_space<vmem>>[vector<16xi32>], vector<16xf32>,
        %add3A_386 = vector.broadcast %squeeze3A_376 : i32 to vector<16xi32>
        %add3A_387 = arith.addi %add3A_386, %add3A_72 : vector<16xi32>
        %gather3A_388 = tpu.vector_load_idx %arg7[%add3A_387] : memref<16384xf32, #tpu.memory_space<vmem>>[vector<16xi32>], vector<16xf32>,
        %slice3A_389 = vector.extract_strided_slice %mul3A_228 {offsets = [6], sizes = [1], strides = [1]} : vector<16xi32> to vector<1xi32>
        %squeeze3A_390 = vector.extract %slice3A_389[0] : i32 from vector<1xi32>
        %add3A_391 = vector.broadcast %squeeze3A_390 : i32 to vector<16xi32>
        %add3A_392 = arith.addi %add3A_391, %add3A_63 : vector<16xi32>
        %gather3A_393 = tpu.vector_load_idx %arg7[%add3A_392] : memref<16384xf32, #tpu.memory_space<vmem>>[vector<16xi32>], vector<16xf32>,
        %add3A_394 = vector.broadcast %squeeze3A_390 : i32 to vector<16xi32>
        %add3A_395 = arith.addi %add3A_394, %add3A_66 : vector<16xi32>
        %gather3A_396 = tpu.vector_load_idx %arg7[%add3A_395] : memref<16384xf32, #tpu.memory_space<vmem>>[vector<16xi32>], vector<16xf32>,
        %add3A_397 = vector.broadcast %squeeze3A_390 : i32 to vector<16xi32>
        %add3A_398 = arith.addi %add3A_397, %add3A_69 : vector<16xi32>
        %gather3A_399 = tpu.vector_load_idx %arg7[%add3A_398] : memref<16384xf32, #tpu.memory_space<vmem>>[vector<16xi32>], vector<16xf32>,
        %add3A_400 = vector.broadcast %squeeze3A_390 : i32 to vector<16xi32>
        %add3A_401 = arith.addi %add3A_400, %add3A_72 : vector<16xi32>
        %gather3A_402 = tpu.vector_load_idx %arg7[%add3A_401] : memref<16384xf32, #tpu.memory_space<vmem>>[vector<16xi32>], vector<16xf32>,
        %slice3A_403 = vector.extract_strided_slice %mul3A_228 {offsets = [7], sizes = [1], strides = [1]} : vector<16xi32> to vector<1xi32>
        %squeeze3A_404 = vector.extract %slice3A_403[0] : i32 from vector<1xi32>
        %add3A_405 = vector.broadcast %squeeze3A_404 : i32 to vector<16xi32>
        %add3A_406 = arith.addi %add3A_405, %add3A_63 : vector<16xi32>
        %gather3A_407 = tpu.vector_load_idx %arg7[%add3A_406] : memref<16384xf32, #tpu.memory_space<vmem>>[vector<16xi32>], vector<16xf32>,
        %add3A_408 = vector.broadcast %squeeze3A_404 : i32 to vector<16xi32>
        %add3A_409 = arith.addi %add3A_408, %add3A_66 : vector<16xi32>
        %gather3A_410 = tpu.vector_load_idx %arg7[%add3A_409] : memref<16384xf32, #tpu.memory_space<vmem>>[vector<16xi32>], vector<16xf32>,
        %add3A_411 = vector.broadcast %squeeze3A_404 : i32 to vector<16xi32>
        %add3A_412 = arith.addi %add3A_411, %add3A_69 : vector<16xi32>
        %gather3A_413 = tpu.vector_load_idx %arg7[%add3A_412] : memref<16384xf32, #tpu.memory_space<vmem>>[vector<16xi32>], vector<16xf32>,
        %add3A_414 = vector.broadcast %squeeze3A_404 : i32 to vector<16xi32>
        %add3A_415 = arith.addi %add3A_414, %add3A_72 : vector<16xi32>
        %gather3A_416 = tpu.vector_load_idx %arg7[%add3A_415] : memref<16384xf32, #tpu.memory_space<vmem>>[vector<16xi32>], vector<16xf32>,
        %add3A_417 = arith.constant 4 : i32
        %add3A_418 = arith.addi %mul3A_221, %add3A_417 : i32
        %swap3A_419 = arith.index_cast %add3A_418 : i32 to index
        %swap3A_420 = arith.constant 0 : index
        %swap3A_421 = tpu.vector_load %arg9[%swap3A_419, %swap3A_420] {strides = array<i32>} : memref<256x64xf32, #tpu.memory_space<vmem>>, vector<16xf32>,
        tpu.vector_store %arg9[%swap3A_419, %swap3A_420], %gather3A_365 {strides = array<i32>} : memref<256x64xf32, #tpu.memory_space<vmem>>, vector<16xf32>,
        %add3A_422 = arith.constant 4 : i32
        %add3A_423 = arith.addi %mul3A_221, %add3A_422 : i32
        %swap3A_424 = arith.index_cast %add3A_423 : i32 to index
        %swap3A_425 = arith.constant 16 : index
        %swap3A_426 = tpu.vector_load %arg9[%swap3A_424, %swap3A_425] {strides = array<i32>} : memref<256x64xf32, #tpu.memory_space<vmem>>, vector<16xf32>,
        tpu.vector_store %arg9[%swap3A_424, %swap3A_425], %gather3A_368 {strides = array<i32>} : memref<256x64xf32, #tpu.memory_space<vmem>>, vector<16xf32>,
        %add3A_427 = arith.constant 4 : i32
        %add3A_428 = arith.addi %mul3A_221, %add3A_427 : i32
        %swap3A_429 = arith.index_cast %add3A_428 : i32 to index
        %swap3A_430 = arith.constant 32 : index
        %swap3A_431 = tpu.vector_load %arg9[%swap3A_429, %swap3A_430] {strides = array<i32>} : memref<256x64xf32, #tpu.memory_space<vmem>>, vector<16xf32>,
        tpu.vector_store %arg9[%swap3A_429, %swap3A_430], %gather3A_371 {strides = array<i32>} : memref<256x64xf32, #tpu.memory_space<vmem>>, vector<16xf32>,
        %add3A_432 = arith.constant 4 : i32
        %add3A_433 = arith.addi %mul3A_221, %add3A_432 : i32
        %swap3A_434 = arith.index_cast %add3A_433 : i32 to index
        %swap3A_435 = arith.constant 48 : index
        %swap3A_436 = tpu.vector_load %arg9[%swap3A_434, %swap3A_435] {strides = array<i32>} : memref<256x64xf32, #tpu.memory_space<vmem>>, vector<16xf32>,
        tpu.vector_store %arg9[%swap3A_434, %swap3A_435], %gather3A_374 {strides = array<i32>} : memref<256x64xf32, #tpu.memory_space<vmem>>, vector<16xf32>,
        %add3A_437 = arith.constant 5 : i32
        %add3A_438 = arith.addi %mul3A_221, %add3A_437 : i32
        %swap3A_439 = arith.index_cast %add3A_438 : i32 to index
        %swap3A_440 = arith.constant 0 : index
        %swap3A_441 = tpu.vector_load %arg9[%swap3A_439, %swap3A_440] {strides = array<i32>} : memref<256x64xf32, #tpu.memory_space<vmem>>, vector<16xf32>,
        tpu.vector_store %arg9[%swap3A_439, %swap3A_440], %gather3A_379 {strides = array<i32>} : memref<256x64xf32, #tpu.memory_space<vmem>>, vector<16xf32>,
        %add3A_442 = arith.constant 5 : i32
        %add3A_443 = arith.addi %mul3A_221, %add3A_442 : i32
        %swap3A_444 = arith.index_cast %add3A_443 : i32 to index
        %swap3A_445 = arith.constant 16 : index
        %swap3A_446 = tpu.vector_load %arg9[%swap3A_444, %swap3A_445] {strides = array<i32>} : memref<256x64xf32, #tpu.memory_space<vmem>>, vector<16xf32>,
        tpu.vector_store %arg9[%swap3A_444, %swap3A_445], %gather3A_382 {strides = array<i32>} : memref<256x64xf32, #tpu.memory_space<vmem>>, vector<16xf32>,
        %add3A_447 = arith.constant 5 : i32
        %add3A_448 = arith.addi %mul3A_221, %add3A_447 : i32
        %swap3A_449 = arith.index_cast %add3A_448 : i32 to index
        %swap3A_450 = arith.constant 32 : index
        %swap3A_451 = tpu.vector_load %arg9[%swap3A_449, %swap3A_450] {strides = array<i32>} : memref<256x64xf32, #tpu.memory_space<vmem>>, vector<16xf32>,
        tpu.vector_store %arg9[%swap3A_449, %swap3A_450], %gather3A_385 {strides = array<i32>} : memref<256x64xf32, #tpu.memory_space<vmem>>, vector<16xf32>,
        %add3A_452 = arith.constant 5 : i32
        %add3A_453 = arith.addi %mul3A_221, %add3A_452 : i32
        %swap3A_454 = arith.index_cast %add3A_453 : i32 to index
        %swap3A_455 = arith.constant 48 : index
        %swap3A_456 = tpu.vector_load %arg9[%swap3A_454, %swap3A_455] {strides = array<i32>} : memref<256x64xf32, #tpu.memory_space<vmem>>, vector<16xf32>,
        tpu.vector_store %arg9[%swap3A_454, %swap3A_455], %gather3A_388 {strides = array<i32>} : memref<256x64xf32, #tpu.memory_space<vmem>>, vector<16xf32>,
        %add3A_457 = arith.constant 6 : i32
        %add3A_458 = arith.addi %mul3A_221, %add3A_457 : i32
        %swap3A_459 = arith.index_cast %add3A_458 : i32 to index
        %swap3A_460 = arith.constant 0 : index
        %swap3A_461 = tpu.vector_load %arg9[%swap3A_459, %swap3A_460] {strides = array<i32>} : memref<256x64xf32, #tpu.memory_space<vmem>>, vector<16xf32>,
        tpu.vector_store %arg9[%swap3A_459, %swap3A_460], %gather3A_393 {strides = array<i32>} : memref<256x64xf32, #tpu.memory_space<vmem>>, vector<16xf32>,
        %add3A_462 = arith.constant 6 : i32
        %add3A_463 = arith.addi %mul3A_221, %add3A_462 : i32
        %swap3A_464 = arith.index_cast %add3A_463 : i32 to index
        %swap3A_465 = arith.constant 16 : index
        %swap3A_466 = tpu.vector_load %arg9[%swap3A_464, %swap3A_465] {strides = array<i32>} : memref<256x64xf32, #tpu.memory_space<vmem>>, vector<16xf32>,
        tpu.vector_store %arg9[%swap3A_464, %swap3A_465], %gather3A_396 {strides = array<i32>} : memref<256x64xf32, #tpu.memory_space<vmem>>, vector<16xf32>,
        %add3A_467 = arith.constant 6 : i32
        %add3A_468 = arith.addi %mul3A_221, %add3A_467 : i32
        %swap3A_469 = arith.index_cast %add3A_468 : i32 to index
        %swap3A_470 = arith.constant 32 : index
        %swap3A_471 = tpu.vector_load %arg9[%swap3A_469, %swap3A_470] {strides = array<i32>} : memref<256x64xf32, #tpu.memory_space<vmem>>, vector<16xf32>,
        tpu.vector_store %arg9[%swap3A_469, %swap3A_470], %gather3A_399 {strides = array<i32>} : memref<256x64xf32, #tpu.memory_space<vmem>>, vector<16xf32>,
        %add3A_472 = arith.constant 6 : i32
        %add3A_473 = arith.addi %mul3A_221, %add3A_472 : i32
        %swap3A_474 = arith.index_cast %add3A_473 : i32 to index
        %swap3A_475 = arith.constant 48 : index
        %swap3A_476 = tpu.vector_load %arg9[%swap3A_474, %swap3A_475] {strides = array<i32>} : memref<256x64xf32, #tpu.memory_space<vmem>>, vector<16xf32>,
        tpu.vector_store %arg9[%swap3A_474, %swap3A_475], %gather3A_402 {strides = array<i32>} : memref<256x64xf32, #tpu.memory_space<vmem>>, vector<16xf32>,
        %add3A_477 = arith.constant 7 : i32
        %add3A_478 = arith.addi %mul3A_221, %add3A_477 : i32
        %swap3A_479 = arith.index_cast %add3A_478 : i32 to index
        %swap3A_480 = arith.constant 0 : index
        %swap3A_481 = tpu.vector_load %arg9[%swap3A_479, %swap3A_480] {strides = array<i32>} : memref<256x64xf32, #tpu.memory_space<vmem>>, vector<16xf32>,
        tpu.vector_store %arg9[%swap3A_479, %swap3A_480], %gather3A_407 {strides = array<i32>} : memref<256x64xf32, #tpu.memory_space<vmem>>, vector<16xf32>,
        %add3A_482 = arith.constant 7 : i32
        %add3A_483 = arith.addi %mul3A_221, %add3A_482 : i32
        %swap3A_484 = arith.index_cast %add3A_483 : i32 to index
        %swap3A_485 = arith.constant 16 : index
        %swap3A_486 = tpu.vector_load %arg9[%swap3A_484, %swap3A_485] {strides = array<i32>} : memref<256x64xf32, #tpu.memory_space<vmem>>, vector<16xf32>,
        tpu.vector_store %arg9[%swap3A_484, %swap3A_485], %gather3A_410 {strides = array<i32>} : memref<256x64xf32, #tpu.memory_space<vmem>>, vector<16xf32>,
        %add3A_487 = arith.constant 7 : i32
        %add3A_488 = arith.addi %mul3A_221, %add3A_487 : i32
        %swap3A_489 = arith.index_cast %add3A_488 : i32 to index
        %swap3A_490 = arith.constant 32 : index
        %swap3A_491 = tpu.vector_load %arg9[%swap3A_489, %swap3A_490] {strides = array<i32>} : memref<256x64xf32, #tpu.memory_space<vmem>>, vector<16xf32>,
        tpu.vector_store %arg9[%swap3A_489, %swap3A_490], %gather3A_413 {strides = array<i32>} : memref<256x64xf32, #tpu.memory_space<vmem>>, vector<16xf32>,
        %add3A_492 = arith.constant 7 : i32
        %add3A_493 = arith.addi %mul3A_221, %add3A_492 : i32
        %swap3A_494 = arith.index_cast %add3A_493 : i32 to index
        %swap3A_495 = arith.constant 48 : index
        %swap3A_496 = tpu.vector_load %arg9[%swap3A_494, %swap3A_495] {strides = array<i32>} : memref<256x64xf32, #tpu.memory_space<vmem>>, vector<16xf32>,
        tpu.vector_store %arg9[%swap3A_494, %swap3A_495], %gather3A_416 {strides = array<i32>} : memref<256x64xf32, #tpu.memory_space<vmem>>, vector<16xf32>,
        %slice3A_497 = vector.extract_strided_slice %mul3A_228 {offsets = [8], sizes = [1], strides = [1]} : vector<16xi32> to vector<1xi32>
        %squeeze3A_498 = vector.extract %slice3A_497[0] : i32 from vector<1xi32>
        %add3A_499 = vector.broadcast %squeeze3A_498 : i32 to vector<16xi32>
        %add3A_500 = arith.addi %add3A_499, %add3A_63 : vector<16xi32>
        %gather3A_501 = tpu.vector_load_idx %arg7[%add3A_500] : memref<16384xf32, #tpu.memory_space<vmem>>[vector<16xi32>], vector<16xf32>,
        %add3A_502 = vector.broadcast %squeeze3A_498 : i32 to vector<16xi32>
        %add3A_503 = arith.addi %add3A_502, %add3A_66 : vector<16xi32>
        %gather3A_504 = tpu.vector_load_idx %arg7[%add3A_503] : memref<16384xf32, #tpu.memory_space<vmem>>[vector<16xi32>], vector<16xf32>,
        %add3A_505 = vector.broadcast %squeeze3A_498 : i32 to vector<16xi32>
        %add3A_506 = arith.addi %add3A_505, %add3A_69 : vector<16xi32>
        %gather3A_507 = tpu.vector_load_idx %arg7[%add3A_506] : memref<16384xf32, #tpu.memory_space<vmem>>[vector<16xi32>], vector<16xf32>,
        %add3A_508 = vector.broadcast %squeeze3A_498 : i32 to vector<16xi32>
        %add3A_509 = arith.addi %add3A_508, %add3A_72 : vector<16xi32>
        %gather3A_510 = tpu.vector_load_idx %arg7[%add3A_509] : memref<16384xf32, #tpu.memory_space<vmem>>[vector<16xi32>], vector<16xf32>,
        %slice3A_511 = vector.extract_strided_slice %mul3A_228 {offsets = [9], sizes = [1], strides = [1]} : vector<16xi32> to vector<1xi32>
        %squeeze3A_512 = vector.extract %slice3A_511[0] : i32 from vector<1xi32>
        %add3A_513 = vector.broadcast %squeeze3A_512 : i32 to vector<16xi32>
        %add3A_514 = arith.addi %add3A_513, %add3A_63 : vector<16xi32>
        %gather3A_515 = tpu.vector_load_idx %arg7[%add3A_514] : memref<16384xf32, #tpu.memory_space<vmem>>[vector<16xi32>], vector<16xf32>,
        %add3A_516 = vector.broadcast %squeeze3A_512 : i32 to vector<16xi32>
        %add3A_517 = arith.addi %add3A_516, %add3A_66 : vector<16xi32>
        %gather3A_518 = tpu.vector_load_idx %arg7[%add3A_517] : memref<16384xf32, #tpu.memory_space<vmem>>[vector<16xi32>], vector<16xf32>,
        %add3A_519 = vector.broadcast %squeeze3A_512 : i32 to vector<16xi32>
        %add3A_520 = arith.addi %add3A_519, %add3A_69 : vector<16xi32>
        %gather3A_521 = tpu.vector_load_idx %arg7[%add3A_520] : memref<16384xf32, #tpu.memory_space<vmem>>[vector<16xi32>], vector<16xf32>,
        %add3A_522 = vector.broadcast %squeeze3A_512 : i32 to vector<16xi32>
        %add3A_523 = arith.addi %add3A_522, %add3A_72 : vector<16xi32>
        %gather3A_524 = tpu.vector_load_idx %arg7[%add3A_523] : memref<16384xf32, #tpu.memory_space<vmem>>[vector<16xi32>], vector<16xf32>,
        %slice3A_525 = vector.extract_strided_slice %mul3A_228 {offsets = [10], sizes = [1], strides = [1]} : vector<16xi32> to vector<1xi32>
        %squeeze3A_526 = vector.extract %slice3A_525[0] : i32 from vector<1xi32>
        %add3A_527 = vector.broadcast %squeeze3A_526 : i32 to vector<16xi32>
        %add3A_528 = arith.addi %add3A_527, %add3A_63 : vector<16xi32>
        %gather3A_529 = tpu.vector_load_idx %arg7[%add3A_528] : memref<16384xf32, #tpu.memory_space<vmem>>[vector<16xi32>], vector<16xf32>,
        %add3A_530 = vector.broadcast %squeeze3A_526 : i32 to vector<16xi32>
        %add3A_531 = arith.addi %add3A_530, %add3A_66 : vector<16xi32>
        %gather3A_532 = tpu.vector_load_idx %arg7[%add3A_531] : memref<16384xf32, #tpu.memory_space<vmem>>[vector<16xi32>], vector<16xf32>,
        %add3A_533 = vector.broadcast %squeeze3A_526 : i32 to vector<16xi32>
        %add3A_534 = arith.addi %add3A_533, %add3A_69 : vector<16xi32>
        %gather3A_535 = tpu.vector_load_idx %arg7[%add3A_534] : memref<16384xf32, #tpu.memory_space<vmem>>[vector<16xi32>], vector<16xf32>,
        %add3A_536 = vector.broadcast %squeeze3A_526 : i32 to vector<16xi32>
        %add3A_537 = arith.addi %add3A_536, %add3A_72 : vector<16xi32>
        %gather3A_538 = tpu.vector_load_idx %arg7[%add3A_537] : memref<16384xf32, #tpu.memory_space<vmem>>[vector<16xi32>], vector<16xf32>,
        %slice3A_539 = vector.extract_strided_slice %mul3A_228 {offsets = [11], sizes = [1], strides = [1]} : vector<16xi32> to vector<1xi32>
        %squeeze3A_540 = vector.extract %slice3A_539[0] : i32 from vector<1xi32>
        %add3A_541 = vector.broadcast %squeeze3A_540 : i32 to vector<16xi32>
        %add3A_542 = arith.addi %add3A_541, %add3A_63 : vector<16xi32>
        %gather3A_543 = tpu.vector_load_idx %arg7[%add3A_542] : memref<16384xf32, #tpu.memory_space<vmem>>[vector<16xi32>], vector<16xf32>,
        %add3A_544 = vector.broadcast %squeeze3A_540 : i32 to vector<16xi32>
        %add3A_545 = arith.addi %add3A_544, %add3A_66 : vector<16xi32>
        %gather3A_546 = tpu.vector_load_idx %arg7[%add3A_545] : memref<16384xf32, #tpu.memory_space<vmem>>[vector<16xi32>], vector<16xf32>,
        %add3A_547 = vector.broadcast %squeeze3A_540 : i32 to vector<16xi32>
        %add3A_548 = arith.addi %add3A_547, %add3A_69 : vector<16xi32>
        %gather3A_549 = tpu.vector_load_idx %arg7[%add3A_548] : memref<16384xf32, #tpu.memory_space<vmem>>[vector<16xi32>], vector<16xf32>,
        %add3A_550 = vector.broadcast %squeeze3A_540 : i32 to vector<16xi32>
        %add3A_551 = arith.addi %add3A_550, %add3A_72 : vector<16xi32>
        %gather3A_552 = tpu.vector_load_idx %arg7[%add3A_551] : memref<16384xf32, #tpu.memory_space<vmem>>[vector<16xi32>], vector<16xf32>,
        %add3A_553 = arith.constant 8 : i32
        %add3A_554 = arith.addi %mul3A_221, %add3A_553 : i32
        %swap3A_555 = arith.index_cast %add3A_554 : i32 to index
        %swap3A_556 = arith.constant 0 : index
        %swap3A_557 = tpu.vector_load %arg9[%swap3A_555, %swap3A_556] {strides = array<i32>} : memref<256x64xf32, #tpu.memory_space<vmem>>, vector<16xf32>,
        tpu.vector_store %arg9[%swap3A_555, %swap3A_556], %gather3A_501 {strides = array<i32>} : memref<256x64xf32, #tpu.memory_space<vmem>>, vector<16xf32>,
        %add3A_558 = arith.constant 8 : i32
        %add3A_559 = arith.addi %mul3A_221, %add3A_558 : i32
        %swap3A_560 = arith.index_cast %add3A_559 : i32 to index
        %swap3A_561 = arith.constant 16 : index
        %swap3A_562 = tpu.vector_load %arg9[%swap3A_560, %swap3A_561] {strides = array<i32>} : memref<256x64xf32, #tpu.memory_space<vmem>>, vector<16xf32>,
        tpu.vector_store %arg9[%swap3A_560, %swap3A_561], %gather3A_504 {strides = array<i32>} : memref<256x64xf32, #tpu.memory_space<vmem>>, vector<16xf32>,
        %add3A_563 = arith.constant 8 : i32
        %add3A_564 = arith.addi %mul3A_221, %add3A_563 : i32
        %swap3A_565 = arith.index_cast %add3A_564 : i32 to index
        %swap3A_566 = arith.constant 32 : index
        %swap3A_567 = tpu.vector_load %arg9[%swap3A_565, %swap3A_566] {strides = array<i32>} : memref<256x64xf32, #tpu.memory_space<vmem>>, vector<16xf32>,
        tpu.vector_store %arg9[%swap3A_565, %swap3A_566], %gather3A_507 {strides = array<i32>} : memref<256x64xf32, #tpu.memory_space<vmem>>, vector<16xf32>,
        %add3A_568 = arith.constant 8 : i32
        %add3A_569 = arith.addi %mul3A_221, %add3A_568 : i32
        %swap3A_570 = arith.index_cast %add3A_569 : i32 to index
        %swap3A_571 = arith.constant 48 : index
        %swap3A_572 = tpu.vector_load %arg9[%swap3A_570, %swap3A_571] {strides = array<i32>} : memref<256x64xf32, #tpu.memory_space<vmem>>, vector<16xf32>,
        tpu.vector_store %arg9[%swap3A_570, %swap3A_571], %gather3A_510 {strides = array<i32>} : memref<256x64xf32, #tpu.memory_space<vmem>>, vector<16xf32>,
        %add3A_573 = arith.constant 9 : i32
        %add3A_574 = arith.addi %mul3A_221, %add3A_573 : i32
        %swap3A_575 = arith.index_cast %add3A_574 : i32 to index
        %swap3A_576 = arith.constant 0 : index
        %swap3A_577 = tpu.vector_load %arg9[%swap3A_575, %swap3A_576] {strides = array<i32>} : memref<256x64xf32, #tpu.memory_space<vmem>>, vector<16xf32>,
        tpu.vector_store %arg9[%swap3A_575, %swap3A_576], %gather3A_515 {strides = array<i32>} : memref<256x64xf32, #tpu.memory_space<vmem>>, vector<16xf32>,
        %add3A_578 = arith.constant 9 : i32
        %add3A_579 = arith.addi %mul3A_221, %add3A_578 : i32
        %swap3A_580 = arith.index_cast %add3A_579 : i32 to index
        %swap3A_581 = arith.constant 16 : index
        %swap3A_582 = tpu.vector_load %arg9[%swap3A_580, %swap3A_581] {strides = array<i32>} : memref<256x64xf32, #tpu.memory_space<vmem>>, vector<16xf32>,
        tpu.vector_store %arg9[%swap3A_580, %swap3A_581], %gather3A_518 {strides = array<i32>} : memref<256x64xf32, #tpu.memory_space<vmem>>, vector<16xf32>,
        %add3A_583 = arith.constant 9 : i32
        %add3A_584 = arith.addi %mul3A_221, %add3A_583 : i32
        %swap3A_585 = arith.index_cast %add3A_584 : i32 to index
        %swap3A_586 = arith.constant 32 : index
        %swap3A_587 = tpu.vector_load %arg9[%swap3A_585, %swap3A_586] {strides = array<i32>} : memref<256x64xf32, #tpu.memory_space<vmem>>, vector<16xf32>,
        tpu.vector_store %arg9[%swap3A_585, %swap3A_586], %gather3A_521 {strides = array<i32>} : memref<256x64xf32, #tpu.memory_space<vmem>>, vector<16xf32>,
        %add3A_588 = arith.constant 9 : i32
        %add3A_589 = arith.addi %mul3A_221, %add3A_588 : i32
        %swap3A_590 = arith.index_cast %add3A_589 : i32 to index
        %swap3A_591 = arith.constant 48 : index
        %swap3A_592 = tpu.vector_load %arg9[%swap3A_590, %swap3A_591] {strides = array<i32>} : memref<256x64xf32, #tpu.memory_space<vmem>>, vector<16xf32>,
        tpu.vector_store %arg9[%swap3A_590, %swap3A_591], %gather3A_524 {strides = array<i32>} : memref<256x64xf32, #tpu.memory_space<vmem>>, vector<16xf32>,
        %add3A_593 = arith.constant 10 : i32
        %add3A_594 = arith.addi %mul3A_221, %add3A_593 : i32
        %swap3A_595 = arith.index_cast %add3A_594 : i32 to index
        %swap3A_596 = arith.constant 0 : index
        %swap3A_597 = tpu.vector_load %arg9[%swap3A_595, %swap3A_596] {strides = array<i32>} : memref<256x64xf32, #tpu.memory_space<vmem>>, vector<16xf32>,
        tpu.vector_store %arg9[%swap3A_595, %swap3A_596], %gather3A_529 {strides = array<i32>} : memref<256x64xf32, #tpu.memory_space<vmem>>, vector<16xf32>,
        %add3A_598 = arith.constant 10 : i32
        %add3A_599 = arith.addi %mul3A_221, %add3A_598 : i32
        %swap3A_600 = arith.index_cast %add3A_599 : i32 to index
        %swap3A_601 = arith.constant 16 : index
        %swap3A_602 = tpu.vector_load %arg9[%swap3A_600, %swap3A_601] {strides = array<i32>} : memref<256x64xf32, #tpu.memory_space<vmem>>, vector<16xf32>,
        tpu.vector_store %arg9[%swap3A_600, %swap3A_601], %gather3A_532 {strides = array<i32>} : memref<256x64xf32, #tpu.memory_space<vmem>>, vector<16xf32>,
        %add3A_603 = arith.constant 10 : i32
        %add3A_604 = arith.addi %mul3A_221, %add3A_603 : i32
        %swap3A_605 = arith.index_cast %add3A_604 : i32 to index
        %swap3A_606 = arith.constant 32 : index
        %swap3A_607 = tpu.vector_load %arg9[%swap3A_605, %swap3A_606] {strides = array<i32>} : memref<256x64xf32, #tpu.memory_space<vmem>>, vector<16xf32>,
        tpu.vector_store %arg9[%swap3A_605, %swap3A_606], %gather3A_535 {strides = array<i32>} : memref<256x64xf32, #tpu.memory_space<vmem>>, vector<16xf32>,
        %add3A_608 = arith.constant 10 : i32
        %add3A_609 = arith.addi %mul3A_221, %add3A_608 : i32
        %swap3A_610 = arith.index_cast %add3A_609 : i32 to index
        %swap3A_611 = arith.constant 48 : index
        %swap3A_612 = tpu.vector_load %arg9[%swap3A_610, %swap3A_611] {strides = array<i32>} : memref<256x64xf32, #tpu.memory_space<vmem>>, vector<16xf32>,
        tpu.vector_store %arg9[%swap3A_610, %swap3A_611], %gather3A_538 {strides = array<i32>} : memref<256x64xf32, #tpu.memory_space<vmem>>, vector<16xf32>,
        %add3A_613 = arith.constant 11 : i32
        %add3A_614 = arith.addi %mul3A_221, %add3A_613 : i32
        %swap3A_615 = arith.index_cast %add3A_614 : i32 to index
        %swap3A_616 = arith.constant 0 : index
        %swap3A_617 = tpu.vector_load %arg9[%swap3A_615, %swap3A_616] {strides = array<i32>} : memref<256x64xf32, #tpu.memory_space<vmem>>, vector<16xf32>,
        tpu.vector_store %arg9[%swap3A_615, %swap3A_616], %gather3A_543 {strides = array<i32>} : memref<256x64xf32, #tpu.memory_space<vmem>>, vector<16xf32>,
        %add3A_618 = arith.constant 11 : i32
        %add3A_619 = arith.addi %mul3A_221, %add3A_618 : i32
        %swap3A_620 = arith.index_cast %add3A_619 : i32 to index
        %swap3A_621 = arith.constant 16 : index
        %swap3A_622 = tpu.vector_load %arg9[%swap3A_620, %swap3A_621] {strides = array<i32>} : memref<256x64xf32, #tpu.memory_space<vmem>>, vector<16xf32>,
        tpu.vector_store %arg9[%swap3A_620, %swap3A_621], %gather3A_546 {strides = array<i32>} : memref<256x64xf32, #tpu.memory_space<vmem>>, vector<16xf32>,
        %add3A_623 = arith.constant 11 : i32
        %add3A_624 = arith.addi %mul3A_221, %add3A_623 : i32
        %swap3A_625 = arith.index_cast %add3A_624 : i32 to index
        %swap3A_626 = arith.constant 32 : index
        %swap3A_627 = tpu.vector_load %arg9[%swap3A_625, %swap3A_626] {strides = array<i32>} : memref<256x64xf32, #tpu.memory_space<vmem>>, vector<16xf32>,
        tpu.vector_store %arg9[%swap3A_625, %swap3A_626], %gather3A_549 {strides = array<i32>} : memref<256x64xf32, #tpu.memory_space<vmem>>, vector<16xf32>,
        %add3A_628 = arith.constant 11 : i32
        %add3A_629 = arith.addi %mul3A_221, %add3A_628 : i32
        %swap3A_630 = arith.index_cast %add3A_629 : i32 to index
        %swap3A_631 = arith.constant 48 : index
        %swap3A_632 = tpu.vector_load %arg9[%swap3A_630, %swap3A_631] {strides = array<i32>} : memref<256x64xf32, #tpu.memory_space<vmem>>, vector<16xf32>,
        tpu.vector_store %arg9[%swap3A_630, %swap3A_631], %gather3A_552 {strides = array<i32>} : memref<256x64xf32, #tpu.memory_space<vmem>>, vector<16xf32>,
        %slice3A_633 = vector.extract_strided_slice %mul3A_228 {offsets = [12], sizes = [1], strides = [1]} : vector<16xi32> to vector<1xi32>
        %squeeze3A_634 = vector.extract %slice3A_633[0] : i32 from vector<1xi32>
        %add3A_635 = vector.broadcast %squeeze3A_634 : i32 to vector<16xi32>
        %add3A_636 = arith.addi %add3A_635, %add3A_63 : vector<16xi32>
        %gather3A_637 = tpu.vector_load_idx %arg7[%add3A_636] : memref<16384xf32, #tpu.memory_space<vmem>>[vector<16xi32>], vector<16xf32>,
        %add3A_638 = vector.broadcast %squeeze3A_634 : i32 to vector<16xi32>
        %add3A_639 = arith.addi %add3A_638, %add3A_66 : vector<16xi32>
        %gather3A_640 = tpu.vector_load_idx %arg7[%add3A_639] : memref<16384xf32, #tpu.memory_space<vmem>>[vector<16xi32>], vector<16xf32>,
        %add3A_641 = vector.broadcast %squeeze3A_634 : i32 to vector<16xi32>
        %add3A_642 = arith.addi %add3A_641, %add3A_69 : vector<16xi32>
        %gather3A_643 = tpu.vector_load_idx %arg7[%add3A_642] : memref<16384xf32, #tpu.memory_space<vmem>>[vector<16xi32>], vector<16xf32>,
        %add3A_644 = vector.broadcast %squeeze3A_634 : i32 to vector<16xi32>
        %add3A_645 = arith.addi %add3A_644, %add3A_72 : vector<16xi32>
        %gather3A_646 = tpu.vector_load_idx %arg7[%add3A_645] : memref<16384xf32, #tpu.memory_space<vmem>>[vector<16xi32>], vector<16xf32>,
        %slice3A_647 = vector.extract_strided_slice %mul3A_228 {offsets = [13], sizes = [1], strides = [1]} : vector<16xi32> to vector<1xi32>
        %squeeze3A_648 = vector.extract %slice3A_647[0] : i32 from vector<1xi32>
        %add3A_649 = vector.broadcast %squeeze3A_648 : i32 to vector<16xi32>
        %add3A_650 = arith.addi %add3A_649, %add3A_63 : vector<16xi32>
        %gather3A_651 = tpu.vector_load_idx %arg7[%add3A_650] : memref<16384xf32, #tpu.memory_space<vmem>>[vector<16xi32>], vector<16xf32>,
        %add3A_652 = vector.broadcast %squeeze3A_648 : i32 to vector<16xi32>
        %add3A_653 = arith.addi %add3A_652, %add3A_66 : vector<16xi32>
        %gather3A_654 = tpu.vector_load_idx %arg7[%add3A_653] : memref<16384xf32, #tpu.memory_space<vmem>>[vector<16xi32>], vector<16xf32>,
        %add3A_655 = vector.broadcast %squeeze3A_648 : i32 to vector<16xi32>
        %add3A_656 = arith.addi %add3A_655, %add3A_69 : vector<16xi32>
        %gather3A_657 = tpu.vector_load_idx %arg7[%add3A_656] : memref<16384xf32, #tpu.memory_space<vmem>>[vector<16xi32>], vector<16xf32>,
        %add3A_658 = vector.broadcast %squeeze3A_648 : i32 to vector<16xi32>
        %add3A_659 = arith.addi %add3A_658, %add3A_72 : vector<16xi32>
        %gather3A_660 = tpu.vector_load_idx %arg7[%add3A_659] : memref<16384xf32, #tpu.memory_space<vmem>>[vector<16xi32>], vector<16xf32>,
        %slice3A_661 = vector.extract_strided_slice %mul3A_228 {offsets = [14], sizes = [1], strides = [1]} : vector<16xi32> to vector<1xi32>
        %squeeze3A_662 = vector.extract %slice3A_661[0] : i32 from vector<1xi32>
        %add3A_663 = vector.broadcast %squeeze3A_662 : i32 to vector<16xi32>
        %add3A_664 = arith.addi %add3A_663, %add3A_63 : vector<16xi32>
        %gather3A_665 = tpu.vector_load_idx %arg7[%add3A_664] : memref<16384xf32, #tpu.memory_space<vmem>>[vector<16xi32>], vector<16xf32>,
        %add3A_666 = vector.broadcast %squeeze3A_662 : i32 to vector<16xi32>
        %add3A_667 = arith.addi %add3A_666, %add3A_66 : vector<16xi32>
        %gather3A_668 = tpu.vector_load_idx %arg7[%add3A_667] : memref<16384xf32, #tpu.memory_space<vmem>>[vector<16xi32>], vector<16xf32>,
        %add3A_669 = vector.broadcast %squeeze3A_662 : i32 to vector<16xi32>
        %add3A_670 = arith.addi %add3A_669, %add3A_69 : vector<16xi32>
        %gather3A_671 = tpu.vector_load_idx %arg7[%add3A_670] : memref<16384xf32, #tpu.memory_space<vmem>>[vector<16xi32>], vector<16xf32>,
        %add3A_672 = vector.broadcast %squeeze3A_662 : i32 to vector<16xi32>
        %add3A_673 = arith.addi %add3A_672, %add3A_72 : vector<16xi32>
        %gather3A_674 = tpu.vector_load_idx %arg7[%add3A_673] : memref<16384xf32, #tpu.memory_space<vmem>>[vector<16xi32>], vector<16xf32>,
        %slice3A_675 = vector.extract_strided_slice %mul3A_228 {offsets = [15], sizes = [1], strides = [1]} : vector<16xi32> to vector<1xi32>
        %squeeze3A_676 = vector.extract %slice3A_675[0] : i32 from vector<1xi32>
        %add3A_677 = vector.broadcast %squeeze3A_676 : i32 to vector<16xi32>
        %add3A_678 = arith.addi %add3A_677, %add3A_63 : vector<16xi32>
        %gather3A_679 = tpu.vector_load_idx %arg7[%add3A_678] : memref<16384xf32, #tpu.memory_space<vmem>>[vector<16xi32>], vector<16xf32>,
        %add3A_680 = vector.broadcast %squeeze3A_676 : i32 to vector<16xi32>
        %add3A_681 = arith.addi %add3A_680, %add3A_66 : vector<16xi32>
        %gather3A_682 = tpu.vector_load_idx %arg7[%add3A_681] : memref<16384xf32, #tpu.memory_space<vmem>>[vector<16xi32>], vector<16xf32>,
        %add3A_683 = vector.broadcast %squeeze3A_676 : i32 to vector<16xi32>
        %add3A_684 = arith.addi %add3A_683, %add3A_69 : vector<16xi32>
        %gather3A_685 = tpu.vector_load_idx %arg7[%add3A_684] : memref<16384xf32, #tpu.memory_space<vmem>>[vector<16xi32>], vector<16xf32>,
        %add3A_686 = vector.broadcast %squeeze3A_676 : i32 to vector<16xi32>
        %add3A_687 = arith.addi %add3A_686, %add3A_72 : vector<16xi32>
        %gather3A_688 = tpu.vector_load_idx %arg7[%add3A_687] : memref<16384xf32, #tpu.memory_space<vmem>>[vector<16xi32>], vector<16xf32>,
        %add3A_689 = arith.constant 12 : i32
        %add3A_690 = arith.addi %mul3A_221, %add3A_689 : i32
        %swap3A_691 = arith.index_cast %add3A_690 : i32 to index
        %swap3A_692 = arith.constant 0 : index
        %swap3A_693 = tpu.vector_load %arg9[%swap3A_691, %swap3A_692] {strides = array<i32>} : memref<256x64xf32, #tpu.memory_space<vmem>>, vector<16xf32>,
        tpu.vector_store %arg9[%swap3A_691, %swap3A_692], %gather3A_637 {strides = array<i32>} : memref<256x64xf32, #tpu.memory_space<vmem>>, vector<16xf32>,
        %add3A_694 = arith.constant 12 : i32
        %add3A_695 = arith.addi %mul3A_221, %add3A_694 : i32
        %swap3A_696 = arith.index_cast %add3A_695 : i32 to index
        %swap3A_697 = arith.constant 16 : index
        %swap3A_698 = tpu.vector_load %arg9[%swap3A_696, %swap3A_697] {strides = array<i32>} : memref<256x64xf32, #tpu.memory_space<vmem>>, vector<16xf32>,
        tpu.vector_store %arg9[%swap3A_696, %swap3A_697], %gather3A_640 {strides = array<i32>} : memref<256x64xf32, #tpu.memory_space<vmem>>, vector<16xf32>,
        %add3A_699 = arith.constant 12 : i32
        %add3A_700 = arith.addi %mul3A_221, %add3A_699 : i32
        %swap3A_701 = arith.index_cast %add3A_700 : i32 to index
        %swap3A_702 = arith.constant 32 : index
        %swap3A_703 = tpu.vector_load %arg9[%swap3A_701, %swap3A_702] {strides = array<i32>} : memref<256x64xf32, #tpu.memory_space<vmem>>, vector<16xf32>,
        tpu.vector_store %arg9[%swap3A_701, %swap3A_702], %gather3A_643 {strides = array<i32>} : memref<256x64xf32, #tpu.memory_space<vmem>>, vector<16xf32>,
        %add3A_704 = arith.constant 12 : i32
        %add3A_705 = arith.addi %mul3A_221, %add3A_704 : i32
        %swap3A_706 = arith.index_cast %add3A_705 : i32 to index
        %swap3A_707 = arith.constant 48 : index
        %swap3A_708 = tpu.vector_load %arg9[%swap3A_706, %swap3A_707] {strides = array<i32>} : memref<256x64xf32, #tpu.memory_space<vmem>>, vector<16xf32>,
        tpu.vector_store %arg9[%swap3A_706, %swap3A_707], %gather3A_646 {strides = array<i32>} : memref<256x64xf32, #tpu.memory_space<vmem>>, vector<16xf32>,
        %add3A_709 = arith.constant 13 : i32
        %add3A_710 = arith.addi %mul3A_221, %add3A_709 : i32
        %swap3A_711 = arith.index_cast %add3A_710 : i32 to index
        %swap3A_712 = arith.constant 0 : index
        %swap3A_713 = tpu.vector_load %arg9[%swap3A_711, %swap3A_712] {strides = array<i32>} : memref<256x64xf32, #tpu.memory_space<vmem>>, vector<16xf32>,
        tpu.vector_store %arg9[%swap3A_711, %swap3A_712], %gather3A_651 {strides = array<i32>} : memref<256x64xf32, #tpu.memory_space<vmem>>, vector<16xf32>,
        %add3A_714 = arith.constant 13 : i32
        %add3A_715 = arith.addi %mul3A_221, %add3A_714 : i32
        %swap3A_716 = arith.index_cast %add3A_715 : i32 to index
        %swap3A_717 = arith.constant 16 : index
        %swap3A_718 = tpu.vector_load %arg9[%swap3A_716, %swap3A_717] {strides = array<i32>} : memref<256x64xf32, #tpu.memory_space<vmem>>, vector<16xf32>,
        tpu.vector_store %arg9[%swap3A_716, %swap3A_717], %gather3A_654 {strides = array<i32>} : memref<256x64xf32, #tpu.memory_space<vmem>>, vector<16xf32>,
        %add3A_719 = arith.constant 13 : i32
        %add3A_720 = arith.addi %mul3A_221, %add3A_719 : i32
        %swap3A_721 = arith.index_cast %add3A_720 : i32 to index
        %swap3A_722 = arith.constant 32 : index
        %swap3A_723 = tpu.vector_load %arg9[%swap3A_721, %swap3A_722] {strides = array<i32>} : memref<256x64xf32, #tpu.memory_space<vmem>>, vector<16xf32>,
        tpu.vector_store %arg9[%swap3A_721, %swap3A_722], %gather3A_657 {strides = array<i32>} : memref<256x64xf32, #tpu.memory_space<vmem>>, vector<16xf32>,
        %add3A_724 = arith.constant 13 : i32
        %add3A_725 = arith.addi %mul3A_221, %add3A_724 : i32
        %swap3A_726 = arith.index_cast %add3A_725 : i32 to index
        %swap3A_727 = arith.constant 48 : index
        %swap3A_728 = tpu.vector_load %arg9[%swap3A_726, %swap3A_727] {strides = array<i32>} : memref<256x64xf32, #tpu.memory_space<vmem>>, vector<16xf32>,
        tpu.vector_store %arg9[%swap3A_726, %swap3A_727], %gather3A_660 {strides = array<i32>} : memref<256x64xf32, #tpu.memory_space<vmem>>, vector<16xf32>,
        %add3A_729 = arith.constant 14 : i32
        %add3A_730 = arith.addi %mul3A_221, %add3A_729 : i32
        %swap3A_731 = arith.index_cast %add3A_730 : i32 to index
        %swap3A_732 = arith.constant 0 : index
        %swap3A_733 = tpu.vector_load %arg9[%swap3A_731, %swap3A_732] {strides = array<i32>} : memref<256x64xf32, #tpu.memory_space<vmem>>, vector<16xf32>,
        tpu.vector_store %arg9[%swap3A_731, %swap3A_732], %gather3A_665 {strides = array<i32>} : memref<256x64xf32, #tpu.memory_space<vmem>>, vector<16xf32>,
        %add3A_734 = arith.constant 14 : i32
        %add3A_735 = arith.addi %mul3A_221, %add3A_734 : i32
        %swap3A_736 = arith.index_cast %add3A_735 : i32 to index
        %swap3A_737 = arith.constant 16 : index
        %swap3A_738 = tpu.vector_load %arg9[%swap3A_736, %swap3A_737] {strides = array<i32>} : memref<256x64xf32, #tpu.memory_space<vmem>>, vector<16xf32>,
        tpu.vector_store %arg9[%swap3A_736, %swap3A_737], %gather3A_668 {strides = array<i32>} : memref<256x64xf32, #tpu.memory_space<vmem>>, vector<16xf32>,
        %add3A_739 = arith.constant 14 : i32
        %add3A_740 = arith.addi %mul3A_221, %add3A_739 : i32
        %swap3A_741 = arith.index_cast %add3A_740 : i32 to index
        %swap3A_742 = arith.constant 32 : index
        %swap3A_743 = tpu.vector_load %arg9[%swap3A_741, %swap3A_742] {strides = array<i32>} : memref<256x64xf32, #tpu.memory_space<vmem>>, vector<16xf32>,
        tpu.vector_store %arg9[%swap3A_741, %swap3A_742], %gather3A_671 {strides = array<i32>} : memref<256x64xf32, #tpu.memory_space<vmem>>, vector<16xf32>,
        %add3A_744 = arith.constant 14 : i32
        %add3A_745 = arith.addi %mul3A_221, %add3A_744 : i32
        %swap3A_746 = arith.index_cast %add3A_745 : i32 to index
        %swap3A_747 = arith.constant 48 : index
        %swap3A_748 = tpu.vector_load %arg9[%swap3A_746, %swap3A_747] {strides = array<i32>} : memref<256x64xf32, #tpu.memory_space<vmem>>, vector<16xf32>,
        tpu.vector_store %arg9[%swap3A_746, %swap3A_747], %gather3A_674 {strides = array<i32>} : memref<256x64xf32, #tpu.memory_space<vmem>>, vector<16xf32>,
        %add3A_749 = arith.constant 15 : i32
        %add3A_750 = arith.addi %mul3A_221, %add3A_749 : i32
        %swap3A_751 = arith.index_cast %add3A_750 : i32 to index
        %swap3A_752 = arith.constant 0 : index
        %swap3A_753 = tpu.vector_load %arg9[%swap3A_751, %swap3A_752] {strides = array<i32>} : memref<256x64xf32, #tpu.memory_space<vmem>>, vector<16xf32>,
        tpu.vector_store %arg9[%swap3A_751, %swap3A_752], %gather3A_679 {strides = array<i32>} : memref<256x64xf32, #tpu.memory_space<vmem>>, vector<16xf32>,
        %add3A_754 = arith.constant 15 : i32
        %add3A_755 = arith.addi %mul3A_221, %add3A_754 : i32
        %swap3A_756 = arith.index_cast %add3A_755 : i32 to index
        %swap3A_757 = arith.constant 16 : index
        %swap3A_758 = tpu.vector_load %arg9[%swap3A_756, %swap3A_757] {strides = array<i32>} : memref<256x64xf32, #tpu.memory_space<vmem>>, vector<16xf32>,
        tpu.vector_store %arg9[%swap3A_756, %swap3A_757], %gather3A_682 {strides = array<i32>} : memref<256x64xf32, #tpu.memory_space<vmem>>, vector<16xf32>,
        %add3A_759 = arith.constant 15 : i32
        %add3A_760 = arith.addi %mul3A_221, %add3A_759 : i32
        %swap3A_761 = arith.index_cast %add3A_760 : i32 to index
        %swap3A_762 = arith.constant 32 : index
        %swap3A_763 = tpu.vector_load %arg9[%swap3A_761, %swap3A_762] {strides = array<i32>} : memref<256x64xf32, #tpu.memory_space<vmem>>, vector<16xf32>,
        tpu.vector_store %arg9[%swap3A_761, %swap3A_762], %gather3A_685 {strides = array<i32>} : memref<256x64xf32, #tpu.memory_space<vmem>>, vector<16xf32>,
        %add3A_764 = arith.constant 15 : i32
        %add3A_765 = arith.addi %mul3A_221, %add3A_764 : i32
        %swap3A_766 = arith.index_cast %add3A_765 : i32 to index
        %swap3A_767 = arith.constant 48 : index
        %swap3A_768 = tpu.vector_load %arg9[%swap3A_766, %swap3A_767] {strides = array<i32>} : memref<256x64xf32, #tpu.memory_space<vmem>>, vector<16xf32>,
        tpu.vector_store %arg9[%swap3A_766, %swap3A_767], %gather3A_688 {strides = array<i32>} : memref<256x64xf32, #tpu.memory_space<vmem>>, vector<16xf32>,
      }
      %scan3A_184 = arith.constant 16 : i32
      %mul3A_185 = arith.constant 2 : i32
      %mul3A_186 = arith.muli %add3A_173, %mul3A_185 : i32
      %add3A_187 = arith.constant 0 : i32
      %add3A_188 = arith.addi %mul3A_186, %add3A_187 : i32
      %mul3A_189 = arith.constant 4096 : i32
      %mul3A_190 = arith.muli %add3A_188, %mul3A_189 : i32
      %add3A_191 = arith.addi %mul3A_190, %mul3A_2 : i32
      %dma_start3A_192 = arith.constant 0 : i32
      %dma_start3A_193 = arith.constant 0 : i32
      %dma_start3A_194 = tpu.memref_slice %arg9[%dma_start3A_192, %dma_start3A_193] : memref<256x64xf32, #tpu.memory_space<vmem>> -> memref<128x64xf32, #tpu.memory_space<vmem>>
      %dma_start3A_195 = arith.constant 0 : i32
      %dma_start3A_196 = tpu.memref_slice %arg4[%add3A_191, %dma_start3A_195] : memref<819200x64xf32, #tpu.memory_space<hbm>> -> memref<128x64xf32, #tpu.memory_space<hbm>>
      %dma_start3A_197 = arith.constant 0 : i32
      %dma_start3A_198 = tpu.memref_slice %arg4[%add3A_191, %dma_start3A_197] : memref<819200x64xf32, #tpu.memory_space<hbm>> -> memref<128x64xf32, #tpu.memory_space<hbm>>
      %dma_start3A_199 = arith.constant 0 : i32
      %dma_start3A_200 = arith.constant 0 : i32
      %dma_start3A_201 = tpu.memref_slice %arg9[%dma_start3A_199, %dma_start3A_200] : memref<256x64xf32, #tpu.memory_space<vmem>> -> memref<128x64xf32, #tpu.memory_space<vmem>>
      tpu.enqueue_dma source(%dma_start3A_201 : memref<128x64xf32, #tpu.memory_space<vmem>>) target(%dma_start3A_198 : memref<128x64xf32, #tpu.memory_space<hbm>>) target_semaphore(%arg11 : memref<!tpu.dma_semaphore, #tpu.memory_space<semaphore_mem>>)
      %mul3A_202 = arith.constant 2 : i32
      %mul3A_203 = arith.muli %add3A_173, %mul3A_202 : i32
      %add3A_204 = arith.constant 1 : i32
      %add3A_205 = arith.addi %mul3A_203, %add3A_204 : i32
      %mul3A_206 = arith.constant 4096 : i32
      %mul3A_207 = arith.muli %add3A_205, %mul3A_206 : i32
      %add3A_208 = arith.addi %mul3A_207, %mul3A_2 : i32
      %dma_start3A_209 = arith.constant 128 : i32
      %dma_start3A_210 = arith.constant 0 : i32
      %dma_start3A_211 = tpu.memref_slice %arg9[%dma_start3A_209, %dma_start3A_210] : memref<256x64xf32, #tpu.memory_space<vmem>> -> memref<128x64xf32, #tpu.memory_space<vmem>>
      %dma_start3A_212 = arith.constant 0 : i32
      %dma_start3A_213 = tpu.memref_slice %arg4[%add3A_208, %dma_start3A_212] : memref<819200x64xf32, #tpu.memory_space<hbm>> -> memref<128x64xf32, #tpu.memory_space<hbm>>
      %dma_start3A_214 = arith.constant 0 : i32
      %dma_start3A_215 = tpu.memref_slice %arg4[%add3A_208, %dma_start3A_214] : memref<819200x64xf32, #tpu.memory_space<hbm>> -> memref<128x64xf32, #tpu.memory_space<hbm>>
      %dma_start3A_216 = arith.constant 128 : i32
      %dma_start3A_217 = arith.constant 0 : i32
      %dma_start3A_218 = tpu.memref_slice %arg9[%dma_start3A_216, %dma_start3A_217] : memref<256x64xf32, #tpu.memory_space<vmem>> -> memref<128x64xf32, #tpu.memory_space<vmem>>
      tpu.enqueue_dma source(%dma_start3A_218 : memref<128x64xf32, #tpu.memory_space<vmem>>) target(%dma_start3A_215 : memref<128x64xf32, #tpu.memory_space<hbm>>) target_semaphore(%arg11 : memref<!tpu.dma_semaphore, #tpu.memory_space<semaphore_mem>>)
    }
    %scan3A_78 = arith.constant 50 : i32
    %add3A_79 = arith.constant 802816 : i32
    %add3A_80 = arith.addi %add3A_79, %mul3A_2 : i32
    %dma_wait3A = arith.constant 0 : i32
    %dma_wait3A_81 = arith.constant 0 : i32
    %dma_wait3A_82 = tpu.memref_slice %arg8[%dma_wait3A, %dma_wait3A_81] : memref<256x64xf32, #tpu.memory_space<vmem>> -> memref<128x64xf32, #tpu.memory_space<vmem>>
    %dma_wait3A_83 = arith.constant 0 : i32
    %dma_wait3A_84 = tpu.memref_slice %arg4[%add3A_80, %dma_wait3A_83] : memref<819200x64xf32, #tpu.memory_space<hbm>> -> memref<128x64xf32, #tpu.memory_space<hbm>>
    %dma_wait3A_85 = arith.constant 0 : i32
    %dma_wait3A_86 = tpu.memref_slice %arg4[%add3A_80, %dma_wait3A_85] : memref<819200x64xf32, #tpu.memory_space<hbm>> -> memref<128x64xf32, #tpu.memory_space<hbm>>
    %dma_wait3A_87 = arith.constant 0 : i32
    %dma_wait3A_88 = arith.constant 0 : i32
    %dma_wait3A_89 = tpu.memref_slice %arg8[%dma_wait3A_87, %dma_wait3A_88] : memref<256x64xf32, #tpu.memory_space<vmem>> -> memref<128x64xf32, #tpu.memory_space<vmem>>
    tpu.wait_dma2 semaphore(%arg10 : memref<!tpu.dma_semaphore, #tpu.memory_space<semaphore_mem>>) src(%dma_wait3A_89 : memref<128x64xf32, #tpu.memory_space<vmem>>) dst(%dma_wait3A_86 : memref<128x64xf32, #tpu.memory_space<hbm>>)
    %add3A_90 = arith.constant 806912 : i32
    %add3A_91 = arith.addi %add3A_90, %mul3A_2 : i32
    %dma_wait3A_92 = arith.constant 128 : i32
    %dma_wait3A_93 = arith.constant 0 : i32
    %dma_wait3A_94 = tpu.memref_slice %arg8[%dma_wait3A_92, %dma_wait3A_93] : memref<256x64xf32, #tpu.memory_space<vmem>> -> memref<128x64xf32, #tpu.memory_space<vmem>>
    %dma_wait3A_95 = arith.constant 0 : i32
    %dma_wait3A_96 = tpu.memref_slice %arg4[%add3A_91, %dma_wait3A_95] : memref<819200x64xf32, #tpu.memory_space<hbm>> -> memref<128x64xf32, #tpu.memory_space<hbm>>
    %dma_wait3A_97 = arith.constant 0 : i32
    %dma_wait3A_98 = tpu.memref_slice %arg4[%add3A_91, %dma_wait3A_97] : memref<819200x64xf32, #tpu.memory_space<hbm>> -> memref<128x64xf32, #tpu.memory_space<hbm>>
    %dma_wait3A_99 = arith.constant 128 : i32
    %dma_wait3A_100 = arith.constant 0 : i32
    %dma_wait3A_101 = tpu.memref_slice %arg8[%dma_wait3A_99, %dma_wait3A_100] : memref<256x64xf32, #tpu.memory_space<vmem>> -> memref<128x64xf32, #tpu.memory_space<vmem>>
    tpu.wait_dma2 semaphore(%arg10 : memref<!tpu.dma_semaphore, #tpu.memory_space<semaphore_mem>>) src(%dma_wait3A_101 : memref<128x64xf32, #tpu.memory_space<vmem>>) dst(%dma_wait3A_98 : memref<128x64xf32, #tpu.memory_space<hbm>>)
    %add3A_102 = arith.constant 811008 : i32
    %add3A_103 = arith.addi %add3A_102, %mul3A_2 : i32
    %dma_wait3A_104 = arith.constant 0 : i32
    %dma_wait3A_105 = arith.constant 0 : i32
    %dma_wait3A_106 = tpu.memref_slice %arg9[%dma_wait3A_104, %dma_wait3A_105] : memref<256x64xf32, #tpu.memory_space<vmem>> -> memref<128x64xf32, #tpu.memory_space<vmem>>
    %dma_wait3A_107 = arith.constant 0 : i32
    %dma_wait3A_108 = tpu.memref_slice %arg4[%add3A_103, %dma_wait3A_107] : memref<819200x64xf32, #tpu.memory_space<hbm>> -> memref<128x64xf32, #tpu.memory_space<hbm>>
    %dma_wait3A_109 = arith.constant 0 : i32
    %dma_wait3A_110 = tpu.memref_slice %arg4[%add3A_103, %dma_wait3A_109] : memref<819200x64xf32, #tpu.memory_space<hbm>> -> memref<128x64xf32, #tpu.memory_space<hbm>>
    %dma_wait3A_111 = arith.constant 0 : i32
    %dma_wait3A_112 = arith.constant 0 : i32
    %dma_wait3A_113 = tpu.memref_slice %arg9[%dma_wait3A_111, %dma_wait3A_112] : memref<256x64xf32, #tpu.memory_space<vmem>> -> memref<128x64xf32, #tpu.memory_space<vmem>>
    tpu.wait_dma2 semaphore(%arg11 : memref<!tpu.dma_semaphore, #tpu.memory_space<semaphore_mem>>) src(%dma_wait3A_113 : memref<128x64xf32, #tpu.memory_space<vmem>>) dst(%dma_wait3A_110 : memref<128x64xf32, #tpu.memory_space<hbm>>)
    %add3A_114 = arith.constant 815104 : i32
    %add3A_115 = arith.addi %add3A_114, %mul3A_2 : i32
    %dma_wait3A_116 = arith.constant 128 : i32
    %dma_wait3A_117 = arith.constant 0 : i32
    %dma_wait3A_118 = tpu.memref_slice %arg9[%dma_wait3A_116, %dma_wait3A_117] : memref<256x64xf32, #tpu.memory_space<vmem>> -> memref<128x64xf32, #tpu.memory_space<vmem>>
    %dma_wait3A_119 = arith.constant 0 : i32
    %dma_wait3A_120 = tpu.memref_slice %arg4[%add3A_115, %dma_wait3A_119] : memref<819200x64xf32, #tpu.memory_space<hbm>> -> memref<128x64xf32, #tpu.memory_space<hbm>>
    %dma_wait3A_121 = arith.constant 0 : i32
    %dma_wait3A_122 = tpu.memref_slice %arg4[%add3A_115, %dma_wait3A_121] : memref<819200x64xf32, #tpu.memory_space<hbm>> -> memref<128x64xf32, #tpu.memory_space<hbm>>
    %dma_wait3A_123 = arith.constant 128 : i32
    %dma_wait3A_124 = arith.constant 0 : i32
    %dma_wait3A_125 = tpu.memref_slice %arg9[%dma_wait3A_123, %dma_wait3A_124] : memref<256x64xf32, #tpu.memory_space<vmem>> -> memref<128x64xf32, #tpu.memory_space<vmem>>
    tpu.wait_dma2 semaphore(%arg11 : memref<!tpu.dma_semaphore, #tpu.memory_space<semaphore_mem>>) src(%dma_wait3A_125 : memref<128x64xf32, #tpu.memory_space<vmem>>) dst(%dma_wait3A_122 : memref<128x64xf32, #tpu.memory_space<hbm>>)
    return
  }
}

</mosaic_0001>

<sc_bundles>
// kernel: kernel.3.cloned.1.call-start
scs
__scs_entry_jumppad:
0x0: {  	(pc) =	sbr.rel $0x88, $3  }
0x1: {  	(tag) =	ssettag $0x0;
	lr =	simm.s32 $0x1  }
0x2: {  	[smem:$0x3F9F] =	sst lr;
	_ =	strace $0xD0000000  }
0x3: {  	_ = 	snop  }
0x4: {  	_ = 	snop  }
0x5: {  	_ = 	snop  }
0x6: {  	_ = 	snop  }
0x7: {  	_ = 	snop  }
__scs_overlays_trampoline_lowered:
0x8: {  	[smem:$0x3FAE] =	sst s0  }
0x9: {  	[smem:$0x3FAF] =	sst s1  }
0xa: {  	[smem:$0x3FB0] =	sst s2  }
0xb: {  	[smem:$0x3FB1] =	sst s3  }
0xc: {  	[smem:$0x3FB2] =	sst s4  }
0xd: {  	[smem:$0x3FB3] =	sst s5  }
0xe: {  	[smem:$0x3FB4] =	sst s6  }
0xf: {  	[smem:$0x3FB5] =	sst s7  }
0x10: {  	[smem:$0x3FB6] =	sst s8  }
0x11: {  	[smem:$0x3FB7] =	sst s9;
	s0 =	simm.s32 @!p0 $0x0  }
0x12: {  	s1 =	sld [smem:$0x3F9D];
	s0 =	simm.s32 @p0 $0x1  }
0x13: {  	[smem:$0x3FB8] =	sst s0;
	s0 =	simm.s32 @!p1 $0x0  }
0x14: {  	s2 =	sld [smem:$0x3F9C];
	s0 =	simm.s32 @p1 $0x1  }
0x15: {  	[smem:$0x3FB9] =	sst s0;
	s0 =	simm.s32 @!p2 $0x0  }
0x16: {  	s3 =	sld [smem:$0x3FDB];
	s0 =	simm.s32 @p2 $0x1  }
0x17: {  	s4 =	simm.s32 $0x1BF5;
	[smem:$0x3FBB] =	sst s0  }
0x18: {  	s0 =	sld [smem:$0x3F9E];
	_ =	swait.ge [sflag:s4], $0x0  }
0x19: {  	s7 =	sld [smem:$0x3F9F]  }
0x1a: {  	s8 =	sadd.s32 $0xFFFFE003, lr  }
0x1b: {  	s9 =	sadd.s32 $0xFFFFFEF7, lr;
	s5 =	simm.s32 $0xFFFFFFFF;
	p2 =	slt.u32 s8, $0xFFFFF086  }
0x1c: {  	p1 =	slt.u32 s9, $0xF7A;
	s5 =	simm.s32 @!p2 $0x0  }
0x1d: {  	s5 =	simm.s32 @p1 $0x1;
	p0 =	seq.s32 s7, s2  }
0x1e: {  	s7 =	smul.u32 @!p0 $0xF7A, s2;
	p2 =	seq.s32 @!p0 s5, $0x0  }
0x1f: {  	s9 =	smul.u32 $0xF7A, s1;
	s8 =	simm.s32 @!p0 $0x1BF5;
	p2 =	por !p2, p0  }
0x20: {  	[sflag:s8] =	ssyncset.s32 @!p0 $0xFFFFF086;
	s6 =	sadd.s32 @!p0 s3, s7;
	s7 =	simm.s32 @!p0 $0x108  }
0x21: {  	s3 =	sadd.s32 s3, s9;
	s6 =	sadd.s32 @!p0 $0x88, s6;
	s7 =	simm.s32 @p2 $0x1082  }
0x22: {  	[simem:s7], [sflag:s8] =	dma.local @!p0 [hbm:s6], $0xF7A  }
0x23: {  	s9 =	sor.u32 $0xD0000000, s2;
	s6 =	simm.s32 $0x108;
	_ =	swait.ge @!p0 [sflag:s8], $0x0  }
0x24: {  	s3 =	sadd.s32 $0x88, s3;
	s6 =	simm.s32 @!p1 $0x1082;
	[sflag:s4] =	ssyncset.s32 $0xFFFFF086  }
0x25: {  	[simem:s6], [sflag:s4] =	dma.local [hbm:s3], $0xF7A  }
0x26: {  	[smem:$0x3F9F] =	sst s1;
	(tag) =	ssettag s2;
	_ =	strace s9  }
0x27: {  	s1 =	sld [smem:$0x3FAF]  }
0x28: {  	s2 =	sld [smem:$0x3FB0]  }
0x29: {  	s4 =	sld [smem:$0x3FB2]  }
0x2a: {  	p0 =	seq.s32 s5, $0x0;
	s5 =	sld [smem:$0x3FB3]  }
0x2b: {  	s6 =	sld [smem:$0x3FB4]  }
0x2c: {  	s7 =	sld [smem:$0x3FB5]  }
0x2d: {  	s3 =	simm.s32 $0x108;
	s8 =	sld [smem:$0x3FB6]  }
0x2e: {  	s3 =	simm.s32 @!p0 $0x1082;
	s9 =	sld [smem:$0x3FB7]  }
0x2f: {  	lr =	sadd.s32 s0, s3;
	s0 =	sld [smem:$0x3FAE]  }
0x30: {  	s3 =	sld [smem:$0x3FB1]  }
0x31: {  	[smem:$0x3FBA] =	sst s10  }
0x32: {  	s10 =	sld [smem:$0x3FB8];
	_ =	sdelay $0x3  }
0x33: {  	p0 =	seq.s32 s10, $0x1;
	s10 =	sld [smem:$0x3FBA];
	_ =	sdelay $0x3  }
0x34: {  	[smem:$0x3FBA] =	sst s10  }
0x35: {  	s10 =	sld [smem:$0x3FB9];
	_ =	sdelay $0x3  }
0x36: {  	p1 =	seq.s32 s10, $0x1;
	s10 =	sld [smem:$0x3FBA];
	_ =	sdelay $0x3  }
0x37: {  	[smem:$0x3FBA] =	sst s10  }
0x38: {  	s10 =	sld [smem:$0x3FBB]  }
0x39: {  	_ = 	snop;
	(pc) =	sbr.ind lr, $3  }
0x3a: {  	_ = 	snop  }
0x3b: {  	_ = 	snop  }
0x3c: {  	p2 =	seq.s32 s10, $0x1;
	s10 =	sld [smem:$0x3FBA]  }
0x3d: {  	_ =	shalt  }
0x3e: {  	_ =	shalt  }
0x3f: {  	_ =	shalt  }
0x40: {  	_ =	shalt  }
0x41: {  	_ =	shalt  }
0x42: {  	_ =	shalt  }
0x43: {  	_ =	shalt  }
0x44: {  	_ =	shalt  }
0x45: {  	_ =	shalt  }
0x46: {  	_ =	shalt  }
0x47: {  	_ =	shalt  }
0x48: {  	_ =	shalt  }
0x49: {  	_ =	shalt  }
0x4a: {  	_ =	shalt  }
0x4b: {  	_ =	shalt  }
0x4c: {  	_ =	shalt  }
0x4d: {  	_ =	shalt  }
0x4e: {  	_ =	shalt  }
0x4f: {  	_ =	shalt  }
0x50: {  	_ =	shalt  }
0x51: {  	_ =	shalt  }
0x52: {  	_ =	shalt  }
0x53: {  	_ =	shalt  }
0x54: {  	_ =	shalt  }
0x55: {  	_ =	shalt  }
0x56: {  	_ =	shalt  }
0x57: {  	_ =	shalt  }
0x58: {  	_ =	shalt  }
0x59: {  	_ =	shalt  }
0x5a: {  	_ =	shalt  }
0x5b: {  	_ =	shalt  }
0x5c: {  	_ =	shalt  }
0x5d: {  	_ =	shalt  }
0x5e: {  	_ =	shalt  }
0x5f: {  	_ =	shalt  }
0x60: {  	_ =	shalt  }
0x61: {  	_ =	shalt  }
0x62: {  	_ =	shalt  }
0x63: {  	_ =	shalt  }
0x64: {  	_ =	shalt  }
0x65: {  	_ =	shalt  }
0x66: {  	_ =	shalt  }
0x67: {  	_ =	shalt  }
0x68: {  	_ =	shalt  }
0x69: {  	_ =	shalt  }
0x6a: {  	_ =	shalt  }
0x6b: {  	_ =	shalt  }
0x6c: {  	_ =	shalt  }
0x6d: {  	_ =	shalt  }
0x6e: {  	_ =	shalt  }
0x6f: {  	_ =	shalt  }
0x70: {  	_ =	shalt  }
0x71: {  	_ =	shalt  }
0x72: {  	_ =	shalt  }
0x73: {  	_ =	shalt  }
0x74: {  	_ =	shalt  }
0x75: {  	_ =	shalt  }
0x76: {  	_ =	shalt  }
0x77: {  	_ =	shalt  }
0x78: {  	_ =	shalt  }
0x79: {  	_ =	shalt  }
0x7a: {  	_ =	shalt  }
0x7b: {  	_ =	shalt  }
0x7c: {  	_ =	shalt  }
0x7d: {  	_ =	shalt  }
0x7e: {  	_ =	shalt  }
0x7f: {  	_ =	shalt  }
0x80: {  	_ =	shalt  }
0x81: {  	_ =	shalt  }
0x82: {  	_ =	shalt  }
0x83: {  	_ =	shalt  }
0x84: {  	_ =	shalt  }
0x85: {  	_ =	shalt  }
0x86: {  	_ =	shalt  }
0x87: {  	_ =	shalt  }
.Lfunc_end0:
.L_simem_size_0:
called_computation.1_lowered:
.L_overlay_start_0:
0x88: {  	s2 =	sld [smem:$0x3FD9]  }
0x89: {  	s3 =	sld [smem:$0x3FFE];
	_ =	sdelay $0x1  }
0x8a: {  	s1 =	srdreg.scid  }
0x8b: {  	s0 =	sand.u32 $0x1, s1  }
0x8c: {  	s17 =	sshll.u32 s0, $0xA;
	s2 =	sadd.s32 s3, s2  }
0x8d: {  	s2 =	sadd.s32 s2, s17  }
0x8e: {  	[smem:$0x3FC6] =	sst s2  }
0x8f: {  	_ = 	snop  }
0x90: {  	s2 =	sld [smem:$0x3FD0];
	(tm) =	ssettm $0x1  }
0x91: {  	s18 =	sld [smem:$0x3FFB];
	_ =	sdelay $0x3  }
0x92: {  	_ =	strace s18  }
0x93: {  	s3 =	sld [smem:$0x3FFC];
	_ =	sdelay $0x3  }
0x94: {  	_ =	strace s3  }
0x95: {  	s3 =	sld [smem:$0x3FFD];
	_ =	sdelay $0x3  }
0x96: {  	_ =	strace s3  }
0x97: {  	_ =	strace $0x8FFFFFFF  }
0x98: {  	s19 =	sld [smem:$0x3FDB];
	_ =	sdelay $0x1  }
0x99: {  	s4 =	simm.s32 $_scs_section_size  }
0x9a: {  	s5 =	simm.s32 $_size__tile_overlayer_lowered;
	s6 =	simm.s32 $_tile_overlayer_lowered  }
0x9b: {  	s22 =	simm.s32 $0x1BFF;
	s21 =	sshll.u32 s6, $0x1;
	s3 =	sadd.s32 s4, s19  }
0x9c: {  	s7 =	simm.s32 $0x0;
	s20 =	sshll.u32 s5, $0x1;
	s5 =	sadd.s32 s21, s3  }
0x9d: {  	[timem:s7], [sflag:s22] =	dma.local [hbm:s5], s20  }
0x9e: {  	_ =	swait.ge [sflag:s22], s20  }
0x9f: {  	s4 =	ssub.s32 $0x0, s20;
	[sflag:s22] =	ssyncset.done $0x0  }
0xa0: {  	[sflag:s22] =	ssyncadd.s32 s4;
	_ =	sdelay $0x1  }
0xa1: {  	s23 =	simm.s32 $0x1B8B  }
0xa2: {  	_ =	swait.ge [sflag:s23], $0x1  }
0xa3: {  	[sflag:s23] =	ssyncset.done $0x0  }
0xa4: {  	s25 =	simm.s32 $0x1B8E;
	s24 =	sld [smem:$0x3FFE];
	[sflag:s23] =	ssyncadd.s32 $0xFFFFFFFF  }
0xa5: {  	s26 =	simm.s32 $execute0_lowered;
	[smem:$0x3FD2] =	sst s25  }
0xa6: {  	s5 =	sshll.u32 s26, $0x1;
	_ =	strace $0x80000046;
	[dreg:$0x1] =	wrdreg $0xFFFFFFFF  }
0xa7: {  	s28 =	simm.s32 $_size_execute0_lowered;
	s3 =	sadd.s32 s3, s5;
	[dreg:$0x0] =	wrdreg $0x0  }
0xa8: {  	s5 =	sshll.u32 s28, $0x1;
	[dreg:$0x2] =	wrdreg s3  }
0xa9: {  	[dreg:$0x3] =	wrdreg s5  }
0xaa: {  	[dreg:$0x4] =	wrdreg $0xC0  }
0xab: {  	_ =	task [dreg:s7], $0x5FFFF  }
0xac: {  	[dreg:$0x1] =	wrdreg $0xFFFFFFFF  }
0xad: {  	[dreg:$0x0] =	wrdreg $0x60  }
0xae: {  	[dreg:$0x2] =	wrdreg s24  }
0xaf: {  	[dreg:$0x3] =	wrdreg s2  }
0xb0: {  	[dreg:$0x4] =	wrdreg $0x9  }
0xb1: {  	_ =	task.clear_ibuf [dreg:s7], $0x5FFFF;
	_ =	strace $0x90000046  }
0xb2: {  	s29 =	simm.s32 $0x9;
	_ =	strace $0x80000048  }
0xb3: {  	_ =	swait.ge [sflag:s29], $0x1  }
0xb4: {  	[sflag:s29] =	ssyncadd.s32 $0xFFFFFFFF  }
0xb5: {  	_ =	strace $0x90000048  }
0xb6: {  	_ =	sfence  }
0xb7: {  	s30 =	sld [smem:$0x0];
	_ =	sdelay $0x2  }
0xb8: {  	s31 =	sshll.u32 s1, $0xD;
	s1 =	sshrl.u32 s1, $0x2  }
0xb9: {  	s3 =	sand.u32 $0x4000, s31;
	s1 =	sadd.s32 s1, s30  }
0xba: {  	s0 =	sor.u32 s3, s0;
	s1 =	sshll.u32 s1, $0x11  }
0xbb: {  	s0 =	sor.u32 s1, s0  }
0xbc: {  	s0 =	sadd.s32 $0x8F2B, s0  }
0xbd: {  	[sflag:s0] =	ssyncadd.remote.s32 $0x1  }
0xbe: {  	_ =	sfence.sel $0xFFFF  }
0xbf: {  	[dreg:$0x0] =	wrdreg $0xFFFFFFFF;
	(pc) =	sbr.abs _section_cstart, $3  }
0xc0: {  	[dreg:$0x1] =	wrdreg $0xFFFFFFFF  }
0xc1: {  	_ =	task.clear_ibuf [dreg:s7], $0x2FFFF;
	_ =	strace $0x9FFFFFFF  }
0xc2: {  	(tm) =	ssettm $0x7FFFFFFF  }
0xc3: {  	_ =	shalt  }
tec
execute0_lowered:
.L_overlay_start_1:
0x0: {  	(tag) =	ssettag $0x1  }
0x1: {  	s1 =	srdreg.scid  }
0x2: {  	s0 =	stileid.u32;
	s4 =	rddreg [dreg:$0x0]  }
0x3: {  	s2 =	rddreg [dreg:$0x1];
	s3 =	simm.s32 $0x0;
	s9 =	simm.s32 $0x3  }
0x4: {  	s10 =	simm.s32 $0xC800;
	s11 =	simm.s32 $0x10800;
	s12 =	simm.s32 $0x12800  }
0x5: {  	s13 =	simm.s32 $0x14800;
	s14 =	simm.s32 $0x16800;
	s15 =	simm.s32 $0x1  }
0x6: {  	v0 =	vlaneseq.u32;
	s16 =	simm.s32 $0x2;
	s5 =	sand.u32 $0x1, s1;
	s31 =	sshll.u32 s0, $0x1  }
0x7: {  	s17 =	simm.s32 $0x0;
	v1 =	vmul.u32 $0xC8, v0;
	s6 =	sor.u32 s5, s31;
	s5 =	ssub.s32 $0x2, s5  }
0x8: {  	v2 =	vimm.s32 $0x0;
	[smem:$0x7FF] =	sst s3;
	v10 =	vor.u32 $0x10, v0;
	s7 =	smul.u32 $0xC80, s6;
	s8 =	sshrl.u32 s5, $0x1  }
0x9: {  	s1 =	rddreg [dreg:$0x2];
	v11 =	vor.u32 $0x20, v0;
	v12 =	vor.u32 $0x30, v0;
	_ =	strace $0x80000047;
	v3 =	vadd.s32 $0xC80, v1;
	s8 =	ssub.s32 s5, s8  }
0xa: {  	v4 =	vadd.s32 $0x1900, v1;
	v5 =	vadd.s32 $0x2580, v1;
	v6 =	vadd.s32 $0x3200, v1;
	s5 =	sshll.u32 s6, $0xA;
	s7 =	sadd.s32 s7, s4;
	s4 =	sadd.s32 $0x800, s4  }
0xb: {  	v7 =	vadd.s32 $0x3E80, v1;
	v8 =	vadd.s32 $0x4B00, v1;
	v9 =	vadd.s32 $0x5780, v1;
	s8 =	smax.u32 s8, $0x1;
	s6 =	sadd.s32 $0x1000, s7;
	s7 =	sadd.s32 $0x8000, s2  }
.LBB2_1:
0xc: {  	[tilespmem:s3], [sflag:$0x3] =	stream.linear.gather [hbm4b:s6+s3], $0x6400, $0x38;
	[tilespmem:$0x18800] =	vst v63  }
0xd: {  	_ =	swait.ge [sflag:s9], $0x6400  }
0xe: {  	s18 =	simm.s32 $0xC7;
	[sflag:s9] =	ssyncset.done $0x0  }
0xf: {  	v13 =	vadd.s32 s18, v1;
	[sflag:s9] =	ssyncadd.s32 $0xFFFF9C00  }
0x10: {  	[tilespmem:s10], [sflag:$0x3] =	stream.linear.gather [hbm4b:s4+s3], $0x4000, $0x38;
	[tilespmem:$0x18800] =	vst v63  }
0x11: {  	_ =	swait.ge [sflag:s9], $0x4000  }
0x12: {  	[sflag:s9] =	ssyncset.done $0x0  }
0x13: {  	[sflag:s9] =	ssyncadd.s32 $0xFFFFC000  }
0x14: {  	v13 =	vld.idx.msk [tilespmem:v13+s3+$0x0], $0xffff;
	_ =	sdelay $0x3  }
0x15: {  	v14 =	vadd.s32 s18, v3  }
0x16: {  	vm0 =	vne.s32 v13, $0x0  }
0x17: {  	v13 =	vsel vm0, $0x1, v2  }
0x18: {  	s20 =	simm.s32 $0x0;
	v13 =	vadd.s32 v13, v2  }
0x19: {  	[tilespmem:s20+$0xC780] =	vst v13  }
0x1a: {  	v14 =	vld.idx.msk [tilespmem:v14+s3+$0x0], $0xffff;
	_ =	sdelay $0x3  }
0x1b: {  	v15 =	vadd.s32 s18, v4  }
0x1c: {  	vm10 =	vne.s32 v14, $0x0  }
0x1d: {  	v14 =	vsel vm10, $0x1, v2  }
0x1e: {  	v14 =	vadd.s32 v14, v2  }
0x1f: {  	[tilespmem:s20+$0xC790] =	vst v14  }
0x20: {  	v15 =	vld.idx.msk [tilespmem:v15+s3+$0x0], $0xffff;
	_ =	sdelay $0x3  }
0x21: {  	v16 =	vadd.s32 s18, v5  }
0x22: {  	vm11 =	vne.s32 v15, $0x0  }
0x23: {  	v15 =	vsel vm11, $0x1, v2  }
0x24: {  	v15 =	vadd.s32 v15, v2  }
0x25: {  	[tilespmem:s20+$0xC7A0] =	vst v15  }
0x26: {  	v16 =	vld.idx.msk [tilespmem:v16+s3+$0x0], $0xffff;
	_ =	sdelay $0x3  }
0x27: {  	v17 =	vadd.s32 s18, v6  }
0x28: {  	vm12 =	vne.s32 v16, $0x0  }
0x29: {  	v16 =	vsel vm12, $0x1, v2  }
0x2a: {  	v16 =	vadd.s32 v16, v2  }
0x2b: {  	[tilespmem:s20+$0xC7B0] =	vst v16  }
0x2c: {  	v17 =	vld.idx.msk [tilespmem:v17+s3+$0x0], $0xffff;
	_ =	sdelay $0x3  }
0x2d: {  	v18 =	vadd.s32 s18, v7  }
0x2e: {  	vm13 =	vne.s32 v17, $0x0  }
0x2f: {  	v17 =	vsel vm13, $0x1, v2  }
0x30: {  	v17 =	vadd.s32 v17, v2  }
0x31: {  	[tilespmem:s20+$0xC7C0] =	vst v17  }
0x32: {  	v18 =	vld.idx.msk [tilespmem:v18+s3+$0x0], $0xffff;
	_ =	sdelay $0x3  }
0x33: {  	v19 =	vadd.s32 s18, v8  }
0x34: {  	vm14 =	vne.s32 v18, $0x0  }
0x35: {  	v18 =	vsel vm14, $0x1, v2  }
0x36: {  	v18 =	vadd.s32 v18, v2  }
0x37: {  	[tilespmem:s20+$0xC7D0] =	vst v18  }
0x38: {  	v19 =	vld.idx.msk [tilespmem:v19+s3+$0x0], $0xffff;
	_ =	sdelay $0x3  }
0x39: {  	v20 =	vadd.s32 s18, v9  }
0x3a: {  	vm15 =	vne.s32 v19, $0x0  }
0x3b: {  	v19 =	vsel vm15, $0x1, v2  }
0x3c: {  	v19 =	vadd.s32 v19, v2  }
0x3d: {  	[tilespmem:s20+$0xC7E0] =	vst v19  }
0x3e: {  	v22 =	vld.idx.msk [tilespmem:v20+s3+$0x0], $0xffff;
	_ =	sdelay $0x2  }
0x3f: {  	s19 =	simm.s32 $0xC6  }
0x40: {  	s21 =	simm.s32 $0xFFFFFE00;
	s22 =	simm.s32 $0xFFFFFC00;
	v21 =	vadd.s32 s19, v1;
	v20 =	vimm.s32 $0x0  }
.LBB2_2:
0x41: {  	p0 =	sne.s32 s22, $0xFFFE7200;
	vm0 =	vne.s32 v22, $0x0  }
0x42: {  	v22 =	vsel vm0, $0x1, v2  }
0x43: {  	v20 =	vadd.s32 v22, v20  }
0x44: {  	s18 =	simm.s32 $0x0;
	[tilespmem:s20+$0xC7F0] =	vst v20  }
0x45: {  	v21 =	vld.idx.msk [tilespmem:v21+s18+$0x0], $0xffff;
	_ =	sdelay $0x4  }
0x46: {  	v22 =	vadd.s32 s19, v3  }
0x47: {  	vm0 =	vne.s32 v21, $0x0  }
0x48: {  	v21 =	vsel vm0, $0x1, v2  }
0x49: {  	s20 =	sshra.s32 s21, $0x2;
	s21 =	smov.u32 s22;
	v13 =	vadd.s32 v21, v13  }
0x4a: {  	[tilespmem:s20+$0xC780] =	vst v13  }
0x4b: {  	v21 =	vld.idx.msk [tilespmem:v22+s18+$0x0], $0xffff;
	_ =	sdelay $0x4  }
0x4c: {  	v22 =	vadd.s32 s19, v4  }
0x4d: {  	vm0 =	vne.s32 v21, $0x0  }
0x4e: {  	v21 =	vsel vm0, $0x1, v2  }
0x4f: {  	v14 =	vadd.s32 v21, v14  }
0x50: {  	[tilespmem:s20+$0xC790] =	vst v14  }
0x51: {  	v21 =	vld.idx.msk [tilespmem:v22+s18+$0x0], $0xffff;
	_ =	sdelay $0x4  }
0x52: {  	v22 =	vadd.s32 s19, v5  }
0x53: {  	vm0 =	vne.s32 v21, $0x0  }
0x54: {  	v21 =	vsel vm0, $0x1, v2  }
0x55: {  	v15 =	vadd.s32 v21, v15  }
0x56: {  	[tilespmem:s20+$0xC7A0] =	vst v15  }
0x57: {  	v21 =	vld.idx.msk [tilespmem:v22+s18+$0x0], $0xffff;
	_ =	sdelay $0x4  }
0x58: {  	v22 =	vadd.s32 s19, v6  }
0x59: {  	vm0 =	vne.s32 v21, $0x0  }
0x5a: {  	v21 =	vsel vm0, $0x1, v2  }
0x5b: {  	v16 =	vadd.s32 v21, v16  }
0x5c: {  	[tilespmem:s20+$0xC7B0] =	vst v16  }
0x5d: {  	v21 =	vld.idx.msk [tilespmem:v22+s18+$0x0], $0xffff;
	_ =	sdelay $0x4  }
0x5e: {  	v22 =	vadd.s32 s19, v7  }
0x5f: {  	vm0 =	vne.s32 v21, $0x0  }
0x60: {  	v21 =	vsel vm0, $0x1, v2  }
0x61: {  	v17 =	vadd.s32 v21, v17  }
0x62: {  	[tilespmem:s20+$0xC7C0] =	vst v17  }
0x63: {  	v21 =	vld.idx.msk [tilespmem:v22+s18+$0x0], $0xffff;
	_ =	sdelay $0x4  }
0x64: {  	v22 =	vadd.s32 s19, v8  }
0x65: {  	vm0 =	vne.s32 v21, $0x0  }
0x66: {  	v21 =	vsel vm0, $0x1, v2  }
0x67: {  	v18 =	vadd.s32 v21, v18  }
0x68: {  	[tilespmem:s20+$0xC7D0] =	vst v18  }
0x69: {  	v21 =	vld.idx.msk [tilespmem:v22+s18+$0x0], $0xffff;
	_ =	sdelay $0x4  }
0x6a: {  	v22 =	vadd.s32 s19, v9  }
0x6b: {  	vm0 =	vne.s32 v21, $0x0  }
0x6c: {  	v21 =	vsel vm0, $0x1, v2  }
0x6d: {  	v19 =	vadd.s32 v21, v19  }
0x6e: {  	[tilespmem:s20+$0xC7E0] =	vst v19  }
0x6f: {  	v22 =	vld.idx.msk [tilespmem:v22+s18+$0x0], $0xffff  }
.Ltmp0:
0x70: {  	(pc) =	sbr.rel @p0 .LBB2_2-.Ltmp0, $3  }
0x71: {  	_ =	sdelay $0x1  }
0x72: {  	s19 =	sadd.s32 $0xFFFFFFFF, s19  }
0x73: {  	s22 =	sadd.s32 $0xFFFFFE00, s22;
	v21 =	vadd.s32 s19, v1  }
0x74: {  	vm0 =	vne.s32 v22, $0x0  }
0x75: {  	v22 =	vsel vm0, $0x1, v2  }
0x76: {  	v20 =	vadd.s32 v22, v20  }
0x77: {  	[tilespmem:s20+$0xC7F0] =	vst v20  }
0x78: {  	v21 =	vld.idx.msk [tilespmem:v21+s18+$0x0], $0xffff;
	_ =	sdelay $0x3  }
0x79: {  	v62 =	vadd.s32 s19, v3  }
0x7a: {  	vm8 =	vne.s32 v21, $0x0  }
0x7b: {  	v21 =	vsel vm8, $0x1, v2  }
0x7c: {  	s31 =	sshra.s32 s21, $0x2;
	v13 =	vadd.s32 v21, v13  }
0x7d: {  	[tilespmem:s31+$0xC780] =	vst v13  }
0x7e: {  	v13 =	vld.idx.msk [tilespmem:v62+s18+$0x0], $0xffff;
	_ =	sdelay $0x3  }
0x7f: {  	v63 =	vadd.s32 s19, v4  }
0x80: {  	vm9 =	vne.s32 v13, $0x0  }
0x81: {  	v13 =	vsel vm9, $0x1, v2  }
0x82: {  	v13 =	vadd.s32 v13, v14  }
0x83: {  	[tilespmem:s31+$0xC790] =	vst v13  }
0x84: {  	v13 =	vld.idx.msk [tilespmem:v63+s18+$0x0], $0xffff;
	_ =	sdelay $0x3  }
0x85: {  	v14 =	vadd.s32 s19, v5  }
0x86: {  	vm10 =	vne.s32 v13, $0x0  }
0x87: {  	v13 =	vsel vm10, $0x1, v2  }
0x88: {  	v13 =	vadd.s32 v13, v15  }
0x89: {  	[tilespmem:s31+$0xC7A0] =	vst v13  }
0x8a: {  	v13 =	vld.idx.msk [tilespmem:v14+s18+$0x0], $0xffff;
	_ =	sdelay $0x3  }
0x8b: {  	v14 =	vadd.s32 s19, v6  }
0x8c: {  	vm11 =	vne.s32 v13, $0x0  }
0x8d: {  	v13 =	vsel vm11, $0x1, v2  }
0x8e: {  	v13 =	vadd.s32 v13, v16  }
0x8f: {  	[tilespmem:s31+$0xC7B0] =	vst v13  }
0x90: {  	v13 =	vld.idx.msk [tilespmem:v14+s18+$0x0], $0xffff;
	_ =	sdelay $0x3  }
0x91: {  	v14 =	vadd.s32 s19, v7  }
0x92: {  	vm12 =	vne.s32 v13, $0x0  }
0x93: {  	v13 =	vsel vm12, $0x1, v2  }
0x94: {  	v13 =	vadd.s32 v13, v17  }
0x95: {  	[tilespmem:s31+$0xC7C0] =	vst v13  }
0x96: {  	v13 =	vld.idx.msk [tilespmem:v14+s18+$0x0], $0xffff;
	_ =	sdelay $0x3  }
0x97: {  	v14 =	vadd.s32 s19, v8  }
0x98: {  	vm13 =	vne.s32 v13, $0x0  }
0x99: {  	v13 =	vsel vm13, $0x1, v2  }
0x9a: {  	v13 =	vadd.s32 v13, v18  }
0x9b: {  	[tilespmem:s31+$0xC7D0] =	vst v13  }
0x9c: {  	v13 =	vld.idx.msk [tilespmem:v14+s18+$0x0], $0xffff;
	_ =	sdelay $0x3  }
0x9d: {  	v14 =	vadd.s32 s19, v9  }
0x9e: {  	vm14 =	vne.s32 v13, $0x0  }
0x9f: {  	v13 =	vsel vm14, $0x1, v2  }
0xa0: {  	v13 =	vadd.s32 v13, v19  }
0xa1: {  	[tilespmem:s31+$0xC7E0] =	vst v13  }
0xa2: {  	v13 =	vld.idx.msk [tilespmem:v14+s18+$0x0], $0xffff;
	_ =	sdelay $0x4  }
0xa3: {  	vm15 =	vne.s32 v13, $0x0  }
0xa4: {  	v13 =	vsel vm15, $0x1, v2  }
0xa5: {  	v13 =	vadd.s32 v13, v20  }
0xa6: {  	s20 =	simm.s32 $0x6500;
	s19 =	simm.s32 $0x6400;
	[tilespmem:s31+$0xC7F0] =	vst v13  }
.LBB2_4:
0xa7: {  	p0 =	seq.s32 s18, $0x0  }
0xa8: {  	s22 =	simm.s32 @!p0 $0x1  }
0xa9: {  	_ =	swait.ge @!p0 [sflag:s22], $0x2000  }
0xaa: {  	[sflag:s22] =	ssyncset.done @!p0 $0x0  }
0xab: {  	v13 =	vmov s19;
	[sflag:s22] =	ssyncadd.s32 @!p0 $0xFFFFE000  }
0xac: {  	_ =	swait.ge @!p0 [sflag:s22], $0x2000  }
0xad: {  	s21 =	sshll.u32 s18, $0x1;
	[sflag:s22] =	ssyncset.done @!p0 $0x0  }
0xae: {  	s23 =	simm.s32 $0x0;
	[sflag:s22] =	ssyncadd.s32 @!p0 $0xFFFFE000;
	s22 =	simm.s32 $0x10A00  }
.LBB2_5:
0xaf: {  	s24 =	sshra.s32 s23, $0x2  }
0xb0: {  	v14 =	vld.idx.msk [tilespmem:v13+s24+$0x0 ss:$0x1], $0xffff;
	_ =	sdelay $0x4  }
0xb1: {  	v14 =	vshll.u32 v14, $0x6  }
0xb2: {  	v15 =	vbroadcast v14, $0x0;
	_ =	sdelay $0x1  }
0xb3: {  	v16 =	vor.u32 v0, v15  }
0xb4: {  	v17 =	vor.u32 v10, v15  }
0xb5: {  	v19 =	vbroadcast v14, $0x1;
	v18 =	vor.u32 v11, v15  }
0xb6: {  	v15 =	vor.u32 v12, v15  }
0xb7: {  	v20 =	vor.u32 v0, v19  }
0xb8: {  	v21 =	vor.u32 v10, v19;
	v16 =	vld.idx.msk [tilespmem:v16+s10+$0x0], $0xffff  }
0xb9: {  	v23 =	vbroadcast v14, $0x2;
	v22 =	vor.u32 v11, v19;
	v17 =	vld.idx.msk [tilespmem:v17+s10+$0x0], $0xffff  }
0xba: {  	v19 =	vor.u32 v12, v19;
	v18 =	vld.idx.msk [tilespmem:v18+s10+$0x0], $0xffff  }
0xbb: {  	v24 =	vor.u32 v0, v23;
	v15 =	vld.idx.msk [tilespmem:v15+s10+$0x0], $0xffff  }
0xbc: {  	v25 =	vor.u32 v10, v23;
	v20 =	vld.idx.msk [tilespmem:v20+s10+$0x0], $0xffff  }
0xbd: {  	v27 =	vbroadcast v14, $0x3;
	v26 =	vor.u32 v11, v23;
	v21 =	vld.idx.msk [tilespmem:v21+s10+$0x0], $0xffff  }
0xbe: {  	v23 =	vor.u32 v12, v23;
	v22 =	vld.idx.msk [tilespmem:v22+s10+$0x0], $0xffff  }
0xbf: {  	v28 =	vor.u32 v0, v27;
	v19 =	vld.idx.msk [tilespmem:v19+s10+$0x0], $0xffff  }
0xc0: {  	v29 =	vor.u32 v10, v27;
	v24 =	vld.idx.msk [tilespmem:v24+s10+$0x0], $0xffff  }
0xc1: {  	v30 =	vor.u32 v11, v27;
	v25 =	vld.idx.msk [tilespmem:v25+s10+$0x0], $0xffff  }
0xc2: {  	v27 =	vor.u32 v12, v27;
	v26 =	vld.idx.msk [tilespmem:v26+s10+$0x0], $0xffff  }
0xc3: {  	v23 =	vld.idx.msk [tilespmem:v23+s10+$0x0], $0xffff  }
0xc4: {  	v28 =	vld.idx.msk [tilespmem:v28+s10+$0x0], $0xffff  }
0xc5: {  	v29 =	vld.idx.msk [tilespmem:v29+s10+$0x0], $0xffff  }
0xc6: {  	v30 =	vld.idx.msk [tilespmem:v30+s10+$0x0], $0xffff  }
0xc7: {  	v27 =	vld.idx.msk [tilespmem:v27+s10+$0x0], $0xffff;
	[tilespmem:s22+$0xFFFFFE00] =	vst v16  }
0xc8: {  	[tilespmem:s22+$0xFFFFFE10] =	vst v17  }
0xc9: {  	[tilespmem:s22+$0xFFFFFE20] =	vst v18  }
0xca: {  	[tilespmem:s22+$0xFFFFFE30] =	vst v15  }
0xcb: {  	[tilespmem:s22+$0xFFFFFE40] =	vst v20  }
0xcc: {  	[tilespmem:s22+$0xFFFFFE50] =	vst v21  }
0xcd: {  	[tilespmem:s22+$0xFFFFFE60] =	vst v22  }
0xce: {  	[tilespmem:s22+$0xFFFFFE70] =	vst v19  }
0xcf: {  	[tilespmem:s22+$0xFFFFFE80] =	vst v24  }
0xd0: {  	v54 =	vbroadcast v14, $0x5;
	[tilespmem:s22+$0xFFFFFE90] =	vst v25  }
0xd1: {  	[tilespmem:s22+$0xFFFFFEA0] =	vst v26  }
0xd2: {  	v55 =	vor.u32 v0, v54;
	[tilespmem:s22+$0xFFFFFEB0] =	vst v23  }
0xd3: {  	v58 =	vbroadcast v14, $0x6;
	v56 =	vor.u32 v10, v54;
	[tilespmem:s22+$0xFFFFFEC0] =	vst v28  }
0xd4: {  	v57 =	vor.u32 v11, v54;
	[tilespmem:s22+$0xFFFFFED0] =	vst v29  }
0xd5: {  	v59 =	vor.u32 v0, v58;
	[tilespmem:s22+$0xFFFFFEE0] =	vst v30  }
0xd6: {  	v62 =	vbroadcast v14, $0x7;
	v60 =	vor.u32 v10, v58;
	[tilespmem:s22+$0xFFFFFEF0] =	vst v27  }
0xd7: {  	v61 =	vor.u32 v11, v58;
	v20 =	vld.idx.msk [tilespmem:v55+s10+$0x0], $0xffff  }
0xd8: {  	v63 =	vor.u32 v0, v62;
	v21 =	vld.idx.msk [tilespmem:v56+s10+$0x0], $0xffff  }
0xd9: {  	v33 =	vor.u32 v10, v62;
	v22 =	vld.idx.msk [tilespmem:v57+s10+$0x0], $0xffff  }
0xda: {  	v34 =	vor.u32 v11, v62;
	v24 =	vld.idx.msk [tilespmem:v59+s10+$0x0], $0xffff  }
0xdb: {  	v19 =	vor.u32 v12, v54;
	v25 =	vld.idx.msk [tilespmem:v60+s10+$0x0], $0xffff  }
0xdc: {  	v15 =	vbroadcast v14, $0x4;
	v23 =	vor.u32 v12, v58;
	v26 =	vld.idx.msk [tilespmem:v61+s10+$0x0], $0xffff  }
0xdd: {  	v27 =	vor.u32 v12, v62;
	v28 =	vld.idx.msk [tilespmem:v63+s10+$0x0], $0xffff  }
0xde: {  	v29 =	vld.idx.msk [tilespmem:v33+s10+$0x0], $0xffff;
	v51 =	vor.u32 v0, v15  }
0xdf: {  	v30 =	vld.idx.msk [tilespmem:v34+s10+$0x0], $0xffff;
	v52 =	vor.u32 v10, v15  }
0xe0: {  	v53 =	vor.u32 v11, v15;
	v19 =	vld.idx.msk [tilespmem:v19+s10+$0x0], $0xffff  }
0xe1: {  	v15 =	vor.u32 v12, v15;
	v23 =	vld.idx.msk [tilespmem:v23+s10+$0x0], $0xffff  }
0xe2: {  	v27 =	vld.idx.msk [tilespmem:v27+s10+$0x0], $0xffff  }
0xe3: {  	v16 =	vld.idx.msk [tilespmem:v51+s10+$0x0], $0xffff  }
0xe4: {  	v17 =	vld.idx.msk [tilespmem:v52+s10+$0x0], $0xffff  }
0xe5: {  	v18 =	vld.idx.msk [tilespmem:v53+s10+$0x0], $0xffff  }
0xe6: {  	v15 =	vld.idx.msk [tilespmem:v15+s10+$0x0], $0xffff;
	[tilespmem:s22+$0xFFFFFF40] =	vst v20  }
0xe7: {  	[tilespmem:s22+$0xFFFFFF50] =	vst v21  }
0xe8: {  	[tilespmem:s22+$0xFFFFFF60] =	vst v22  }
0xe9: {  	[tilespmem:s22+$0xFFFFFF80] =	vst v24  }
0xea: {  	[tilespmem:s22+$0xFFFFFF90] =	vst v25  }
0xeb: {  	[tilespmem:s22+$0xFFFFFFA0] =	vst v26  }
0xec: {  	[tilespmem:s22+$0xFFFFFFC0] =	vst v28  }
0xed: {  	[tilespmem:s22+$0xFFFFFFD0] =	vst v29  }
0xee: {  	[tilespmem:s22+$0xFFFFFFE0] =	vst v30  }
0xef: {  	v38 =	vbroadcast v14, $0x9;
	[tilespmem:s22+$0xFFFFFF70] =	vst v19  }
0xf0: {  	[tilespmem:s22+$0xFFFFFFB0] =	vst v23  }
0xf1: {  	v39 =	vor.u32 v0, v38;
	[tilespmem:s22+$0xFFFFFFF0] =	vst v27  }
0xf2: {  	v42 =	vbroadcast v14, $0xA;
	v40 =	vor.u32 v10, v38;
	[tilespmem:s22+$0xFFFFFF00] =	vst v16  }
0xf3: {  	v41 =	vor.u32 v11, v38;
	[tilespmem:s22+$0xFFFFFF10] =	vst v17  }
0xf4: {  	v43 =	vor.u32 v0, v42;
	[tilespmem:s22+$0xFFFFFF20] =	vst v18  }
0xf5: {  	v46 =	vbroadcast v14, $0xB;
	v44 =	vor.u32 v10, v42;
	[tilespmem:s22+$0xFFFFFF30] =	vst v15  }
0xf6: {  	v45 =	vor.u32 v11, v42;
	v20 =	vld.idx.msk [tilespmem:v39+s10+$0x0], $0xffff  }
0xf7: {  	v47 =	vor.u32 v0, v46;
	v21 =	vld.idx.msk [tilespmem:v40+s10+$0x0], $0xffff  }
0xf8: {  	v48 =	vor.u32 v10, v46;
	v22 =	vld.idx.msk [tilespmem:v41+s10+$0x0], $0xffff  }
0xf9: {  	v49 =	vor.u32 v11, v46;
	v24 =	vld.idx.msk [tilespmem:v43+s10+$0x0], $0xffff  }
0xfa: {  	v19 =	vor.u32 v12, v38;
	v25 =	vld.idx.msk [tilespmem:v44+s10+$0x0], $0xffff  }
0xfb: {  	v23 =	vor.u32 v12, v42;
	v15 =	vbroadcast v14, $0x8;
	v26 =	vld.idx.msk [tilespmem:v45+s10+$0x0], $0xffff  }
0xfc: {  	v27 =	vor.u32 v12, v46;
	v28 =	vld.idx.msk [tilespmem:v47+s10+$0x0], $0xffff  }
0xfd: {  	v29 =	vld.idx.msk [tilespmem:v48+s10+$0x0], $0xffff;
	v35 =	vor.u32 v0, v15  }
0xfe: {  	v30 =	vld.idx.msk [tilespmem:v49+s10+$0x0], $0xffff;
	v36 =	vor.u32 v10, v15  }
0xff: {  	v37 =	vor.u32 v11, v15;
	v19 =	vld.idx.msk [tilespmem:v19+s10+$0x0], $0xffff  }
0x100: {  	v15 =	vor.u32 v12, v15;
	v23 =	vld.idx.msk [tilespmem:v23+s10+$0x0], $0xffff  }
0x101: {  	v27 =	vld.idx.msk [tilespmem:v27+s10+$0x0], $0xffff  }
0x102: {  	v16 =	vld.idx.msk [tilespmem:v35+s10+$0x0], $0xffff  }
0x103: {  	v17 =	vld.idx.msk [tilespmem:v36+s10+$0x0], $0xffff  }
0x104: {  	v18 =	vld.idx.msk [tilespmem:v37+s10+$0x0], $0xffff  }
0x105: {  	v15 =	vld.idx.msk [tilespmem:v15+s10+$0x0], $0xffff;
	[tilespmem:s22+$0x40] =	vst v20  }
0x106: {  	[tilespmem:s22+$0x50] =	vst v21  }
0x107: {  	[tilespmem:s22+$0x60] =	vst v22  }
0x108: {  	[tilespmem:s22+$0x80] =	vst v24  }
0x109: {  	[tilespmem:s22+$0x90] =	vst v25  }
0x10a: {  	[tilespmem:s22+$0xA0] =	vst v26  }
0x10b: {  	[tilespmem:s22+$0xC0] =	vst v28  }
0x10c: {  	[tilespmem:s22+$0xD0] =	vst v29  }
0x10d: {  	[tilespmem:s22+$0xE0] =	vst v30  }
0x10e: {  	v53 =	vbroadcast v14, $0xD;
	[tilespmem:s22+$0x70] =	vst v19  }
0x10f: {  	[tilespmem:s22+$0xB0] =	vst v23  }
0x110: {  	v54 =	vor.u32 v0, v53;
	[tilespmem:s22+$0xF0] =	vst v27  }
0x111: {  	v55 =	vor.u32 v10, v53;
	[tilespmem:s22+$0x0] =	vst v16  }
0x112: {  	v57 =	vbroadcast v14, $0xE;
	v56 =	vor.u32 v11, v53;
	[tilespmem:s22+$0x10] =	vst v17  }
0x113: {  	v19 =	vor.u32 v12, v53;
	[tilespmem:s22+$0x20] =	vst v18  }
0x114: {  	v58 =	vor.u32 v0, v57;
	[tilespmem:s22+$0x30] =	vst v15  }
0x115: {  	v59 =	vor.u32 v10, v57;
	v20 =	vld.idx.msk [tilespmem:v54+s10+$0x0], $0xffff  }
0x116: {  	v60 =	vor.u32 v11, v57;
	v15 =	vbroadcast v14, $0xC;
	v21 =	vld.idx.msk [tilespmem:v55+s10+$0x0], $0xffff  }
0x117: {  	v23 =	vor.u32 v12, v57;
	v22 =	vld.idx.msk [tilespmem:v56+s10+$0x0], $0xffff  }
0x118: {  	v19 =	vld.idx.msk [tilespmem:v19+s10+$0x0], $0xffff;
	v50 =	vor.u32 v0, v15  }
0x119: {  	v24 =	vld.idx.msk [tilespmem:v58+s10+$0x0], $0xffff;
	v51 =	vor.u32 v10, v15  }
0x11a: {  	v14 =	vbroadcast v14, $0xF;
	v25 =	vld.idx.msk [tilespmem:v59+s10+$0x0], $0xffff;
	v52 =	vor.u32 v11, v15  }
0x11b: {  	v26 =	vld.idx.msk [tilespmem:v60+s10+$0x0], $0xffff;
	v15 =	vor.u32 v12, v15  }
0x11c: {  	v23 =	vld.idx.msk [tilespmem:v23+s10+$0x0], $0xffff;
	v61 =	vor.u32 v0, v14  }
0x11d: {  	v62 =	vor.u32 v10, v14;
	v16 =	vld.idx.msk [tilespmem:v50+s10+$0x0], $0xffff  }
0x11e: {  	v63 =	vor.u32 v11, v14;
	v17 =	vld.idx.msk [tilespmem:v51+s10+$0x0], $0xffff  }
0x11f: {  	v14 =	vor.u32 v12, v14;
	v18 =	vld.idx.msk [tilespmem:v52+s10+$0x0], $0xffff  }
0x120: {  	v15 =	vld.idx.msk [tilespmem:v15+s10+$0x0], $0xffff  }
0x121: {  	v27 =	vld.idx.msk [tilespmem:v61+s10+$0x0], $0xffff  }
0x122: {  	v28 =	vld.idx.msk [tilespmem:v62+s10+$0x0], $0xffff  }
0x123: {  	v29 =	vld.idx.msk [tilespmem:v63+s10+$0x0], $0xffff  }
0x124: {  	v14 =	vld.idx.msk [tilespmem:v14+s10+$0x0], $0xffff;
	[tilespmem:s22+$0x140] =	vst v20  }
0x125: {  	[tilespmem:s22+$0x150] =	vst v21  }
0x126: {  	[tilespmem:s22+$0x160] =	vst v22  }
0x127: {  	[tilespmem:s22+$0x170] =	vst v19  }
0x128: {  	[tilespmem:s22+$0x180] =	vst v24  }
0x129: {  	[tilespmem:s22+$0x190] =	vst v25  }
0x12a: {  	[tilespmem:s22+$0x1A0] =	vst v26  }
0x12b: {  	[tilespmem:s22+$0x1B0] =	vst v23  }
0x12c: {  	[tilespmem:s22+$0x100] =	vst v16  }
0x12d: {  	[tilespmem:s22+$0x110] =	vst v17  }
0x12e: {  	p1 =	sne.s32 s23, $0x3C0;
	[tilespmem:s22+$0x120] =	vst v18  }
.Ltmp1:
0x12f: {  	[tilespmem:s22+$0x130] =	vst v15;
	(pc) =	sbr.rel @p1 .LBB2_5-.Ltmp1, $4  }
0x130: {  	[tilespmem:s22+$0x1C0] =	vst v27  }
0x131: {  	[tilespmem:s22+$0x1D0] =	vst v28  }
0x132: {  	[tilespmem:s22+$0x1E0] =	vst v29  }
0x133: {  	s23 =	sadd.s32 $0x40, s23;
	[tilespmem:s22+$0x1F0] =	vst v14;
	s22 =	sadd.s32 $0x400, s22  }
0x134: {  	s22 =	sshll.u32 s18, $0x11  }
0x135: {  	s22 =	sor.u32 s5, s22  }
0x136: {  	s23 =	sadd.s32 s2, s22  }
0x137: {  	[hbm4b:s23+s3] =	stream.linear.scatter [tilespmem:s11], [sflag:$0x1], $0x2000, $0x38;
	[tilespmem:$0x18800] =	vst v63  }
0x138: {  	s22 =	sadd.s32 s22, s7  }
0x139: {  	[hbm4b:s22+s3] =	stream.linear.scatter [tilespmem:s12], [sflag:$0x1], $0x2000, $0x38;
	[tilespmem:$0x18800] =	vst v63  }
0x13a: {  	s22 =	simm.s32 @!p0 $0x2  }
0x13b: {  	_ =	swait.ge @!p0 [sflag:s22], $0x2000  }
0x13c: {  	[sflag:s22] =	ssyncset.done @!p0 $0x0  }
0x13d: {  	v13 =	vmov s20;
	[sflag:s22] =	ssyncadd.s32 @!p0 $0xFFFFE000  }
0x13e: {  	_ =	swait.ge @!p0 [sflag:s22], $0x2000  }
0x13f: {  	s21 =	sor.u32 $0x1, s21;
	[sflag:s22] =	ssyncset.done @!p0 $0x0  }
0x140: {  	s23 =	simm.s32 $0x14A00;
	[sflag:s22] =	ssyncadd.s32 @!p0 $0xFFFFE000;
	s22 =	simm.s32 $0x0  }
.LBB2_7:
0x141: {  	s24 =	sshra.s32 s22, $0x2  }
0x142: {  	v14 =	vld.idx.msk [tilespmem:v13+s24+$0x0 ss:$0x1], $0xffff;
	_ =	sdelay $0x4  }
0x143: {  	v14 =	vshll.u32 v14, $0x6  }
0x144: {  	v15 =	vbroadcast v14, $0x0;
	_ =	sdelay $0x1  }
0x145: {  	v16 =	vor.u32 v0, v15  }
0x146: {  	v17 =	vor.u32 v10, v15  }
0x147: {  	v19 =	vbroadcast v14, $0x1;
	v18 =	vor.u32 v11, v15  }
0x148: {  	v15 =	vor.u32 v12, v15  }
0x149: {  	v20 =	vor.u32 v0, v19  }
0x14a: {  	v21 =	vor.u32 v10, v19;
	v16 =	vld.idx.msk [tilespmem:v16+s10+$0x0], $0xffff  }
0x14b: {  	v23 =	vbroadcast v14, $0x2;
	v22 =	vor.u32 v11, v19;
	v17 =	vld.idx.msk [tilespmem:v17+s10+$0x0], $0xffff  }
0x14c: {  	v19 =	vor.u32 v12, v19;
	v18 =	vld.idx.msk [tilespmem:v18+s10+$0x0], $0xffff  }
0x14d: {  	v24 =	vor.u32 v0, v23;
	v15 =	vld.idx.msk [tilespmem:v15+s10+$0x0], $0xffff  }
0x14e: {  	v25 =	vor.u32 v10, v23;
	v20 =	vld.idx.msk [tilespmem:v20+s10+$0x0], $0xffff  }
0x14f: {  	v27 =	vbroadcast v14, $0x3;
	v26 =	vor.u32 v11, v23;
	v21 =	vld.idx.msk [tilespmem:v21+s10+$0x0], $0xffff  }
0x150: {  	v23 =	vor.u32 v12, v23;
	v22 =	vld.idx.msk [tilespmem:v22+s10+$0x0], $0xffff  }
0x151: {  	v28 =	vor.u32 v0, v27;
	v19 =	vld.idx.msk [tilespmem:v19+s10+$0x0], $0xffff  }
0x152: {  	v29 =	vor.u32 v10, v27;
	v24 =	vld.idx.msk [tilespmem:v24+s10+$0x0], $0xffff  }
0x153: {  	v30 =	vor.u32 v11, v27;
	v25 =	vld.idx.msk [tilespmem:v25+s10+$0x0], $0xffff  }
0x154: {  	v27 =	vor.u32 v12, v27;
	v26 =	vld.idx.msk [tilespmem:v26+s10+$0x0], $0xffff  }
0x155: {  	v23 =	vld.idx.msk [tilespmem:v23+s10+$0x0], $0xffff  }
0x156: {  	v28 =	vld.idx.msk [tilespmem:v28+s10+$0x0], $0xffff  }
0x157: {  	v29 =	vld.idx.msk [tilespmem:v29+s10+$0x0], $0xffff  }
0x158: {  	v30 =	vld.idx.msk [tilespmem:v30+s10+$0x0], $0xffff  }
0x159: {  	v27 =	vld.idx.msk [tilespmem:v27+s10+$0x0], $0xffff;
	[tilespmem:s23+$0xFFFFFE00] =	vst v16  }
0x15a: {  	[tilespmem:s23+$0xFFFFFE10] =	vst v17  }
0x15b: {  	[tilespmem:s23+$0xFFFFFE20] =	vst v18  }
0x15c: {  	[tilespmem:s23+$0xFFFFFE30] =	vst v15  }
0x15d: {  	[tilespmem:s23+$0xFFFFFE40] =	vst v20  }
0x15e: {  	[tilespmem:s23+$0xFFFFFE50] =	vst v21  }
0x15f: {  	[tilespmem:s23+$0xFFFFFE60] =	vst v22  }
0x160: {  	[tilespmem:s23+$0xFFFFFE70] =	vst v19  }
0x161: {  	[tilespmem:s23+$0xFFFFFE80] =	vst v24  }
0x162: {  	v54 =	vbroadcast v14, $0x5;
	[tilespmem:s23+$0xFFFFFE90] =	vst v25  }
0x163: {  	[tilespmem:s23+$0xFFFFFEA0] =	vst v26  }
0x164: {  	v55 =	vor.u32 v0, v54;
	[tilespmem:s23+$0xFFFFFEB0] =	vst v23  }
0x165: {  	v58 =	vbroadcast v14, $0x6;
	v56 =	vor.u32 v10, v54;
	[tilespmem:s23+$0xFFFFFEC0] =	vst v28  }
0x166: {  	v57 =	vor.u32 v11, v54;
	[tilespmem:s23+$0xFFFFFED0] =	vst v29  }
0x167: {  	v59 =	vor.u32 v0, v58;
	[tilespmem:s23+$0xFFFFFEE0] =	vst v30  }
0x168: {  	v62 =	vbroadcast v14, $0x7;
	v60 =	vor.u32 v10, v58;
	[tilespmem:s23+$0xFFFFFEF0] =	vst v27  }
0x169: {  	v61 =	vor.u32 v11, v58;
	v20 =	vld.idx.msk [tilespmem:v55+s10+$0x0], $0xffff  }
0x16a: {  	v63 =	vor.u32 v0, v62;
	v21 =	vld.idx.msk [tilespmem:v56+s10+$0x0], $0xffff  }
0x16b: {  	v33 =	vor.u32 v10, v62;
	v22 =	vld.idx.msk [tilespmem:v57+s10+$0x0], $0xffff  }
0x16c: {  	v34 =	vor.u32 v11, v62;
	v24 =	vld.idx.msk [tilespmem:v59+s10+$0x0], $0xffff  }
0x16d: {  	v19 =	vor.u32 v12, v54;
	v25 =	vld.idx.msk [tilespmem:v60+s10+$0x0], $0xffff  }
0x16e: {  	v15 =	vbroadcast v14, $0x4;
	v23 =	vor.u32 v12, v58;
	v26 =	vld.idx.msk [tilespmem:v61+s10+$0x0], $0xffff  }
0x16f: {  	v27 =	vor.u32 v12, v62;
	v28 =	vld.idx.msk [tilespmem:v63+s10+$0x0], $0xffff  }
0x170: {  	v29 =	vld.idx.msk [tilespmem:v33+s10+$0x0], $0xffff;
	v51 =	vor.u32 v0, v15  }
0x171: {  	v30 =	vld.idx.msk [tilespmem:v34+s10+$0x0], $0xffff;
	v52 =	vor.u32 v10, v15  }
0x172: {  	v53 =	vor.u32 v11, v15;
	v19 =	vld.idx.msk [tilespmem:v19+s10+$0x0], $0xffff  }
0x173: {  	v15 =	vor.u32 v12, v15;
	v23 =	vld.idx.msk [tilespmem:v23+s10+$0x0], $0xffff  }
0x174: {  	v27 =	vld.idx.msk [tilespmem:v27+s10+$0x0], $0xffff  }
0x175: {  	v16 =	vld.idx.msk [tilespmem:v51+s10+$0x0], $0xffff  }
0x176: {  	v17 =	vld.idx.msk [tilespmem:v52+s10+$0x0], $0xffff  }
0x177: {  	v18 =	vld.idx.msk [tilespmem:v53+s10+$0x0], $0xffff  }
0x178: {  	v15 =	vld.idx.msk [tilespmem:v15+s10+$0x0], $0xffff;
	[tilespmem:s23+$0xFFFFFF40] =	vst v20  }
0x179: {  	[tilespmem:s23+$0xFFFFFF50] =	vst v21  }
0x17a: {  	[tilespmem:s23+$0xFFFFFF60] =	vst v22  }
0x17b: {  	[tilespmem:s23+$0xFFFFFF80] =	vst v24  }
0x17c: {  	[tilespmem:s23+$0xFFFFFF90] =	vst v25  }
0x17d: {  	[tilespmem:s23+$0xFFFFFFA0] =	vst v26  }
0x17e: {  	[tilespmem:s23+$0xFFFFFFC0] =	vst v28  }
0x17f: {  	[tilespmem:s23+$0xFFFFFFD0] =	vst v29  }
0x180: {  	[tilespmem:s23+$0xFFFFFFE0] =	vst v30  }
0x181: {  	v38 =	vbroadcast v14, $0x9;
	[tilespmem:s23+$0xFFFFFF70] =	vst v19  }
0x182: {  	[tilespmem:s23+$0xFFFFFFB0] =	vst v23  }
0x183: {  	v39 =	vor.u32 v0, v38;
	[tilespmem:s23+$0xFFFFFFF0] =	vst v27  }
0x184: {  	v42 =	vbroadcast v14, $0xA;
	v40 =	vor.u32 v10, v38;
	[tilespmem:s23+$0xFFFFFF00] =	vst v16  }
0x185: {  	v41 =	vor.u32 v11, v38;
	[tilespmem:s23+$0xFFFFFF10] =	vst v17  }
0x186: {  	v43 =	vor.u32 v0, v42;
	[tilespmem:s23+$0xFFFFFF20] =	vst v18  }
0x187: {  	v46 =	vbroadcast v14, $0xB;
	v44 =	vor.u32 v10, v42;
	[tilespmem:s23+$0xFFFFFF30] =	vst v15  }
0x188: {  	v45 =	vor.u32 v11, v42;
	v20 =	vld.idx.msk [tilespmem:v39+s10+$0x0], $0xffff  }
0x189: {  	v47 =	vor.u32 v0, v46;
	v21 =	vld.idx.msk [tilespmem:v40+s10+$0x0], $0xffff  }
0x18a: {  	v48 =	vor.u32 v10, v46;
	v22 =	vld.idx.msk [tilespmem:v41+s10+$0x0], $0xffff  }
0x18b: {  	v49 =	vor.u32 v11, v46;
	v24 =	vld.idx.msk [tilespmem:v43+s10+$0x0], $0xffff  }
0x18c: {  	v19 =	vor.u32 v12, v38;
	v25 =	vld.idx.msk [tilespmem:v44+s10+$0x0], $0xffff  }
0x18d: {  	v23 =	vor.u32 v12, v42;
	v15 =	vbroadcast v14, $0x8;
	v26 =	vld.idx.msk [tilespmem:v45+s10+$0x0], $0xffff  }
0x18e: {  	v27 =	vor.u32 v12, v46;
	v28 =	vld.idx.msk [tilespmem:v47+s10+$0x0], $0xffff  }
0x18f: {  	v29 =	vld.idx.msk [tilespmem:v48+s10+$0x0], $0xffff;
	v35 =	vor.u32 v0, v15  }
0x190: {  	v30 =	vld.idx.msk [tilespmem:v49+s10+$0x0], $0xffff;
	v36 =	vor.u32 v10, v15  }
0x191: {  	v37 =	vor.u32 v11, v15;
	v19 =	vld.idx.msk [tilespmem:v19+s10+$0x0], $0xffff  }
0x192: {  	v15 =	vor.u32 v12, v15;
	v23 =	vld.idx.msk [tilespmem:v23+s10+$0x0], $0xffff  }
0x193: {  	v27 =	vld.idx.msk [tilespmem:v27+s10+$0x0], $0xffff  }
0x194: {  	v16 =	vld.idx.msk [tilespmem:v35+s10+$0x0], $0xffff  }
0x195: {  	v17 =	vld.idx.msk [tilespmem:v36+s10+$0x0], $0xffff  }
0x196: {  	v18 =	vld.idx.msk [tilespmem:v37+s10+$0x0], $0xffff  }
0x197: {  	v15 =	vld.idx.msk [tilespmem:v15+s10+$0x0], $0xffff;
	[tilespmem:s23+$0x40] =	vst v20  }
0x198: {  	[tilespmem:s23+$0x50] =	vst v21  }
0x199: {  	[tilespmem:s23+$0x60] =	vst v22  }
0x19a: {  	[tilespmem:s23+$0x80] =	vst v24  }
0x19b: {  	[tilespmem:s23+$0x90] =	vst v25  }
0x19c: {  	[tilespmem:s23+$0xA0] =	vst v26  }
0x19d: {  	[tilespmem:s23+$0xC0] =	vst v28  }
0x19e: {  	[tilespmem:s23+$0xD0] =	vst v29  }
0x19f: {  	[tilespmem:s23+$0xE0] =	vst v30  }
0x1a0: {  	v53 =	vbroadcast v14, $0xD;
	[tilespmem:s23+$0x70] =	vst v19  }
0x1a1: {  	[tilespmem:s23+$0xB0] =	vst v23  }
0x1a2: {  	v54 =	vor.u32 v0, v53;
	[tilespmem:s23+$0xF0] =	vst v27  }
0x1a3: {  	v55 =	vor.u32 v10, v53;
	[tilespmem:s23+$0x0] =	vst v16  }
0x1a4: {  	v57 =	vbroadcast v14, $0xE;
	v56 =	vor.u32 v11, v53;
	[tilespmem:s23+$0x10] =	vst v17  }
0x1a5: {  	v19 =	vor.u32 v12, v53;
	[tilespmem:s23+$0x20] =	vst v18  }
0x1a6: {  	v58 =	vor.u32 v0, v57;
	[tilespmem:s23+$0x30] =	vst v15  }
0x1a7: {  	v59 =	vor.u32 v10, v57;
	v20 =	vld.idx.msk [tilespmem:v54+s10+$0x0], $0xffff  }
0x1a8: {  	v60 =	vor.u32 v11, v57;
	v15 =	vbroadcast v14, $0xC;
	v21 =	vld.idx.msk [tilespmem:v55+s10+$0x0], $0xffff  }
0x1a9: {  	v23 =	vor.u32 v12, v57;
	v22 =	vld.idx.msk [tilespmem:v56+s10+$0x0], $0xffff  }
0x1aa: {  	v19 =	vld.idx.msk [tilespmem:v19+s10+$0x0], $0xffff;
	v50 =	vor.u32 v0, v15  }
0x1ab: {  	v24 =	vld.idx.msk [tilespmem:v58+s10+$0x0], $0xffff;
	v51 =	vor.u32 v10, v15  }
0x1ac: {  	v14 =	vbroadcast v14, $0xF;
	v25 =	vld.idx.msk [tilespmem:v59+s10+$0x0], $0xffff;
	v52 =	vor.u32 v11, v15  }
0x1ad: {  	v26 =	vld.idx.msk [tilespmem:v60+s10+$0x0], $0xffff;
	v15 =	vor.u32 v12, v15  }
0x1ae: {  	v23 =	vld.idx.msk [tilespmem:v23+s10+$0x0], $0xffff;
	v61 =	vor.u32 v0, v14  }
0x1af: {  	v62 =	vor.u32 v10, v14;
	v16 =	vld.idx.msk [tilespmem:v50+s10+$0x0], $0xffff  }
0x1b0: {  	v63 =	vor.u32 v11, v14;
	v17 =	vld.idx.msk [tilespmem:v51+s10+$0x0], $0xffff  }
0x1b1: {  	v14 =	vor.u32 v12, v14;
	v18 =	vld.idx.msk [tilespmem:v52+s10+$0x0], $0xffff  }
0x1b2: {  	v15 =	vld.idx.msk [tilespmem:v15+s10+$0x0], $0xffff  }
0x1b3: {  	v27 =	vld.idx.msk [tilespmem:v61+s10+$0x0], $0xffff  }
0x1b4: {  	v28 =	vld.idx.msk [tilespmem:v62+s10+$0x0], $0xffff  }
0x1b5: {  	v29 =	vld.idx.msk [tilespmem:v63+s10+$0x0], $0xffff  }
0x1b6: {  	v14 =	vld.idx.msk [tilespmem:v14+s10+$0x0], $0xffff;
	[tilespmem:s23+$0x140] =	vst v20  }
0x1b7: {  	[tilespmem:s23+$0x150] =	vst v21  }
0x1b8: {  	[tilespmem:s23+$0x160] =	vst v22  }
0x1b9: {  	[tilespmem:s23+$0x170] =	vst v19  }
0x1ba: {  	[tilespmem:s23+$0x180] =	vst v24  }
0x1bb: {  	[tilespmem:s23+$0x190] =	vst v25  }
0x1bc: {  	[tilespmem:s23+$0x1A0] =	vst v26  }
0x1bd: {  	[tilespmem:s23+$0x1B0] =	vst v23  }
0x1be: {  	[tilespmem:s23+$0x100] =	vst v16  }
0x1bf: {  	[tilespmem:s23+$0x110] =	vst v17  }
0x1c0: {  	p0 =	sne.s32 s22, $0x3C0;
	[tilespmem:s23+$0x120] =	vst v18  }
.Ltmp2:
0x1c1: {  	[tilespmem:s23+$0x130] =	vst v15;
	(pc) =	sbr.rel @p0 .LBB2_7-.Ltmp2, $4  }
0x1c2: {  	[tilespmem:s23+$0x1C0] =	vst v27  }
0x1c3: {  	[tilespmem:s23+$0x1D0] =	vst v28  }
0x1c4: {  	[tilespmem:s23+$0x1E0] =	vst v29  }
0x1c5: {  	s22 =	sadd.s32 $0x40, s22;
	[tilespmem:s23+$0x1F0] =	vst v14;
	s23 =	sadd.s32 $0x400, s23  }
0x1c6: {  	s18 =	sadd.s32 $0x1, s18  }
0x1c7: {  	s21 =	sshll.u32 s21, $0x10;
	p0 =	sne.s32 s18, $0x32  }
.Ltmp3:
0x1c8: {  	s21 =	sor.u32 s5, s21;
	(pc) =	sbr.rel @p0 .LBB2_4-.Ltmp3, $4  }
0x1c9: {  	s22 =	sadd.s32 s2, s21  }
0x1ca: {  	[hbm4b:s22+s3] =	stream.linear.scatter [tilespmem:s13], [sflag:$0x2], $0x2000, $0x38;
	[tilespmem:$0x18800] =	vst v63  }
0x1cb: {  	s19 =	sadd.s32 $0x200, s19;
	s20 =	sadd.s32 $0x200, s20;
	s21 =	sadd.s32 s21, s7  }
0x1cc: {  	[hbm4b:s21+s3] =	stream.linear.scatter [tilespmem:s14], [sflag:$0x2], $0x2000, $0x38;
	[tilespmem:$0x18800] =	vst v63  }
0x1cd: {  	_ =	swait.ge [sflag:s15], $0x2000  }
0x1ce: {  	[sflag:s15] =	ssyncset.done $0x0  }
0x1cf: {  	[sflag:s15] =	ssyncadd.s32 $0xFFFFE000  }
0x1d0: {  	_ =	swait.ge [sflag:s15], $0x2000  }
0x1d1: {  	[sflag:s15] =	ssyncset.done $0x0  }
0x1d2: {  	s17 =	sadd.s32 $0x1, s17;
	[sflag:s15] =	ssyncadd.s32 $0xFFFFE000  }
0x1d3: {  	p0 =	sne.s32 s17, s8;
	_ =	swait.ge [sflag:s16], $0x2000  }
.Ltmp4:
0x1d4: {  	[sflag:s16] =	ssyncset.done $0x0;
	(pc) =	sbr.rel @p0 .LBB2_1-.Ltmp4, $4  }
0x1d5: {  	[sflag:s16] =	ssyncadd.s32 $0xFFFFE000  }
0x1d6: {  	_ =	swait.ge [sflag:s16], $0x2000  }
0x1d7: {  	[sflag:s16] =	ssyncset.done $0x0  }
0x1d8: {  	[sflag:s16] =	ssyncadd.s32 $0xFFFFE000  }
0x1d9: {  	_ =	sfence.sel $0x180000  }
0x1da: {  	[bflag:$0x0] =	sbarrier.arrive $0xFFFF  }
0x1db: {  	p0 =	sne.s32 s0, $0x0;
	_ =	strace $0x90000047  }
0x1dc: {  	s0 =	sadd.s32 @!p0 $0x100000, s1;
	[bflag:$0x2] =	sbarrier.arrive $0xFFFF  }
0x1dd: {  	[sflag:s0] =	ssyncadd.tile.s32 @!p0 $0x1;
	_ =	shalt  }
.Lfunc_end2:
_tile_overlayer_lowered:
.L_overlay_start_2:
0x1de: {  	(tag) =	ssettag $0x2  }
0x1df: {  	s0 =	rddreg [dreg:$0x0];
	s2 =	stileid.u32  }
0x1e0: {  	s1 =	rddreg [dreg:$0x1];
	p0 =	sne.s32 s2, $0x0  }
0x1e1: {  	s3 =	rddreg [dreg:$0x2];
	[bflag:$0x3] =	sbarrier.arrive $0xFFFF;
	s2 =	simm.s32 @!p0 $0x1C03  }
0x1e2: {  	[timem:s3], [sflag:s2] =	dma.local @!p0 [hbm:s0], s1  }
0x1e3: {  	s0 =	simm.s32 @!p0 $0x3  }
0x1e4: {  	_ =	swait.ge @!p0 [sflag:s0], s1  }
0x1e5: {  	s1 =	ssub.s32 @!p0 $0x0, s1;
	[sflag:s0] =	ssyncset.done @!p0 $0x0  }
0x1e6: {  	[sflag:s0] =	ssyncadd.s32 @!p0 s1  }
0x1e7: {  	[bflag:$0x3] =	sbarrier.arrive $0xFFFF  }
0x1e8: {  	_ =	shalt  }

// kernel: sparse-core-data-format-call.cloned.1.call-start
scs
called_computation_lowered:
.L_overlay_start_0:
0x0: {  	s2 =	sld [smem:$0x3FD9]  }
0x1: {  	s3 =	sld [smem:$0x3FFE];
	_ =	sdelay $0x1  }
0x2: {  	s1 =	srdreg.scid  }
0x3: {  	s0 =	sand.u32 $0x1, s1  }
0x4: {  	s18 =	sshll.u32 s0, $0xA;
	s2 =	sadd.s32 s3, s2  }
0x5: {  	s2 =	sadd.s32 s2, s18  }
0x6: {  	[smem:$0x3FC6] =	sst s2  }
0x7: {  	_ = 	snop  }
0x8: {  	s2 =	sld [smem:$0x3FD0];
	(tm) =	ssettm $0x1  }
0x9: {  	s19 =	sld [smem:$0x3FFB];
	_ =	sdelay $0x3  }
0xa: {  	_ =	strace s19  }
0xb: {  	s3 =	sld [smem:$0x3FFC];
	_ =	sdelay $0x3  }
0xc: {  	_ =	strace s3  }
0xd: {  	s3 =	sld [smem:$0x3FFD];
	_ =	sdelay $0x3  }
0xe: {  	_ =	strace s3  }
0xf: {  	_ =	strace $0x8FFFFFFF  }
0x10: {  	s20 =	sld [smem:$0x3FDB];
	_ =	sdelay $0x1  }
0x11: {  	s4 =	simm.s32 $_scs_section_size  }
0x12: {  	s5 =	simm.s32 $_size__tile_overlayer_lowered;
	s6 =	simm.s32 $_tile_overlayer_lowered  }
0x13: {  	s23 =	simm.s32 $0x1BFF;
	s22 =	sshll.u32 s6, $0x1;
	s3 =	sadd.s32 s4, s20  }
0x14: {  	s7 =	simm.s32 $0x0;
	s21 =	sshll.u32 s5, $0x1;
	s5 =	sadd.s32 s22, s3  }
0x15: {  	[timem:s7], [sflag:s23] =	dma.local [hbm:s5], s21  }
0x16: {  	_ =	swait.ge [sflag:s23], s21  }
0x17: {  	s4 =	ssub.s32 $0x0, s21;
	[sflag:s23] =	ssyncset.done $0x0  }
0x18: {  	[sflag:s23] =	ssyncadd.s32 s4;
	_ =	sdelay $0x1  }
0x19: {  	s24 =	simm.s32 $0x1B8B  }
0x1a: {  	_ =	swait.ge [sflag:s24], $0x1  }
0x1b: {  	[sflag:s24] =	ssyncset.done $0x0  }
0x1c: {  	s26 =	simm.s32 $0x1B8E;
	s25 =	sld [smem:$0x3FFE];
	[sflag:s24] =	ssyncadd.s32 $0xFFFFFFFF  }
0x1d: {  	s27 =	simm.s32 $execute0_lowered;
	[smem:$0x3FD2] =	sst s26  }
0x1e: {  	s5 =	sshll.u32 s27, $0x1;
	_ =	strace $0x80000049;
	[dreg:$0x1] =	wrdreg $0xFFFFFFFF  }
0x1f: {  	s28 =	simm.s32 $_size_execute0_lowered;
	s3 =	sadd.s32 s3, s5;
	[dreg:$0x0] =	wrdreg $0x0  }
0x20: {  	s5 =	sshll.u32 s28, $0x1;
	[dreg:$0x2] =	wrdreg s3  }
0x21: {  	[dreg:$0x3] =	wrdreg s5  }
0x22: {  	[dreg:$0x4] =	wrdreg $0xC0  }
0x23: {  	_ =	task [dreg:s7], $0x5FFFF  }
0x24: {  	[dreg:$0x1] =	wrdreg $0xFFFFFFFF  }
0x25: {  	[dreg:$0x0] =	wrdreg $0x60  }
0x26: {  	[dreg:$0x2] =	wrdreg s25  }
0x27: {  	[dreg:$0x3] =	wrdreg s2  }
0x28: {  	[dreg:$0x4] =	wrdreg $0x9  }
0x29: {  	_ =	task.clear_ibuf [dreg:s7], $0x5FFFF;
	_ =	strace $0x90000049  }
0x2a: {  	s29 =	simm.s32 $0x9;
	_ =	strace $0x8000004B  }
0x2b: {  	_ =	swait.ge [sflag:s29], $0x1  }
0x2c: {  	[sflag:s29] =	ssyncadd.s32 $0xFFFFFFFF  }
0x2d: {  	_ =	strace $0x9000004B  }
0x2e: {  	_ =	sfence  }
0x2f: {  	s30 =	sld [smem:$0x0];
	_ =	sdelay $0x2  }
0x30: {  	s31 =	sshll.u32 s1, $0xD;
	s1 =	sshrl.u32 s1, $0x2  }
0x31: {  	s3 =	sand.u32 $0x4000, s31;
	s1 =	sadd.s32 s1, s30  }
0x32: {  	s0 =	sor.u32 s3, s0;
	s1 =	sshll.u32 s1, $0x11  }
0x33: {  	s0 =	sor.u32 s1, s0  }
0x34: {  	s0 =	sadd.s32 $0x8F2B, s0  }
0x35: {  	[sflag:s0] =	ssyncadd.remote.s32 $0x1  }
0x36: {  	_ =	sfence.sel $0xFFFF  }
0x37: {  	[dreg:$0x0] =	wrdreg $0xFFFFFFFF;
	(pc) =	sbr.abs _section_cstart, $3  }
0x38: {  	[dreg:$0x1] =	wrdreg $0xFFFFFFFF  }
0x39: {  	_ =	task.clear_ibuf [dreg:s7], $0x2FFFF;
	_ =	strace $0x9FFFFFFF  }
0x3a: {  	(tm) =	ssettm $0x7FFFFFFF  }
0x3b: {  	_ =	shalt  }
tec
execute0_lowered:
.L_overlay_start_1:
0x0: {  	(tag) =	ssettag $0x1  }
0x1: {  	s0 =	srdreg.scid  }
0x2: {  	s1 =	sshll.u32 s0, $0x4  }
0x3: {  	s5 =	rddreg [dreg:$0x0];
	s0 =	stileid.u32;
	s1 =	sand.u32 $0x10, s1  }
0x4: {  	s3 =	rddreg [dreg:$0x1];
	s31 =	simm.s32 $0x2;
	s4 =	sor.u32 s0, s1  }
0x5: {  	s13 =	simm.s32 $0x0;
	s9 =	simm.s32 $0x400;
	s2 =	sshll.u32 s4, $0x7  }
0x6: {  	s10 =	simm.s32 $0x8000;
	s14 =	simm.s32 $0x0;
	s6 =	ssub.s32 $0x1000, s2  }
0x7: {  	s1 =	rddreg [dreg:$0x2];
	_ =	strace $0x8000004A;
	s7 =	sand.u32 $0xF80, s6  }
0x8: {  	s4 =	sshll.u32 s4, $0xB;
	p0 =	sne.s32 s7, $0x0;
	s7 =	simm.s32 $0x1  }
.Ltmp0:
0x9: {  	s6 =	sshrl.u32 s6, $0xC;
	s7 =	simm.s32 @!p0 $0x0;
	(pc) =	sbr.rel .LBB1_1-.Ltmp0, $4  }
0xa: {  	s8 =	sadd.s32 s4, s5;
	s4 =	simm.s32 $0x1;
	s30 =	sadd.s32 s7, s6  }
0xb: {  	s11 =	simm.s32 $0x0;
	[sflag:s4] =	ssyncpa.u1 $0x0;
	s5 =	smul.u32 $0x64, s30  }
0xc: {  	s12 =	simm.s32 $0x0;
	[sflag:s31] =	ssyncpa.u1 $0x0;
	p0 =	por $0x0, $0x0  }
0xd: {  	s6 =	sadd.s32 $0x800, s8;
	s7 =	sadd.s32 $0x10800, s8;
	s8 =	sor.u32 $0x1, s5  }
.LBB1_7:
0xe: {  	s15 =	sadd.s32 $0x2, s11  }
0xf: {  	p2 =	sgt.s32 s15, $0xC7  }
0x10: {  	s15 =	simm.s32 @p2 $0x0;
	p2 =	sne.s32 s12, s8  }
.Ltmp1:
0x11: {  	p1 =	slt.u32 s12, $0x2;
	(pc) =	sbr.rel @!p2 .LBB1_8-.Ltmp1, $4  }
0x12: {  	s13 =	simm.s32 @!p1 $0x2  }
0x13: {  	s16 =	sadd.s32 $0x1, s12;
	s14 =	smov.u32 s11;
	_ =	swait.ge @!p1 [sflag:s13], $0x4000  }
0x14: {  	p0 =	por !p0, !p0;
	s12 =	smov.u32 s16;
	[sflag:s13] =	ssyncset.done @!p1 $0x0  }
0x15: {  	s11 =	smov.u32 s15;
	[sflag:s13] =	ssyncadd.s32 @!p1 $0xFFFFC000;
	s13 =	smov.u32 s2  }
.LBB1_1:
0x16: {  	p1 =	sge.u32 s12, s5  }
0x17: {  	s15 =	sxor.u32 @!p1 $0xFFFFFFFF, s12  }
0x18: {  	s16 =	sshll.u32 @!p1 s11, $0x10;
	s18 =	simm.s32 @!p1 $0x40;
	s15 =	sshll.u32 @!p1 s15, $0xE  }
0x19: {  	s19 =	simm.s32 @!p1 $0x80;
	s17 =	sadd.s32 @!p1 s16, s6;
	s15 =	sand.u32 @!p1 $0x4000, s15  }
0x1a: {  	[tilespmem:s15], [sflag:$0x1] =	stream.strided.gather @!p1 [hbm4b:s17+s18], $0x2000, s19, s18, $0x38;
	[tilespmem:$0x10100] =	vst v63  }
0x1b: {  	s31 =	sadd.s32 $0xFFFFFFFF, s12;
	s16 =	sadd.s32 @!p1 s16, s7;
	s15 =	sor.u32 @!p1 $0x2000, s15  }
0x1c: {  	[tilespmem:s15], [sflag:$0x1] =	stream.strided.gather @!p1 [hbm4b:s16+s18], $0x2000, s19, s18, $0x38;
	[tilespmem:$0x10100] =	vst v63  }
0x1d: {  	p1 =	sge.u32 s31, s5  }
.Ltmp2:
0x1e: {  	_ = 	snop;
	(pc) =	sbr.rel @p1 .LBB1_7-.Ltmp2, $1  }
0x1f: {  	_ =	sdelay $0x3  }
0x20: {  	s15 =	simm.s32 $0x1;
	s17 =	sand.u32 $0x1, s12  }
0x21: {  	_ =	swait.ge [sflag:s4], $0x4000;
	s15 =	simm.s32 @!p0 $0x0;
	s17 =	smul.u32 $0x10200, s17  }
0x22: {  	p2 =	por $0x1, $0x1;
	[sflag:s4] =	ssyncset.done $0x0;
	s16 =	smul.u32 $0x10200, s15  }
0x23: {  	s18 =	sshll.u32 s15, $0x10;
	[sflag:s4] =	ssyncadd.s32 $0xFFFFC000;
	s30 =	sshrl.u32 s17, $0x2  }
0x24: {  	s31 =	sshrl.u32 s18, $0x2;
	s18 =	simm.s32 $0x0;
	s16 =	sshrl.u32 s16, $0x2  }
0x25: {  	s15 =	sor.u32 $0x8000, s30;
	s17 =	sadd.s32 $0x20, s31;
	s16 =	sor.u32 $0x8000, s16  }
.LBB1_3:
0x26: {  	s19 =	sshll.u32 s18, $0xD  }
0x27: {  	s19 =	sand.u32 $0x3FFFE000, s19  }
0x28: {  	s21 =	sadd.s32 s19, s17  }
0x29: {  	s31 =	smul.u32 $0x8100, s18;
	v3 =	vld [tilespmem:s21+$0x10]  }
0x2a: {  	v1 =	vld [tilespmem:s21+$0xFFFFFFF0]  }
0x2b: {  	s18 =	sshra.s32 s31, $0x2;
	v0 =	vld [tilespmem:s21+$0x0]  }
0x2c: {  	s18 =	sadd.s32 s18, s16;
	v2 =	vld [tilespmem:s21+$0xFFFFFFE0]  }
0x2d: {  	s19 =	sadd.s32 $0x0, s18  }
0x2e: {  	p1 =	por p2, p2;
	s20 =	simm.s32 $0x4;
	s21 =	sadd.s32 $0x40, s21;
	[tilespmem:s19+$0x1830 ss:$0x81] =	vst.msk $0xffff, v3  }
.LBB1_4:
0x2f: {  	v3 =	vld [tilespmem:s21+$0x10];
	p2 =	sne.s32 s20, $0x1FC;
	[tilespmem:s19+$0x810 ss:$0x81] =	vst.msk $0xffff, v1;
	s22 =	smov.u32 s20;
	s20 =	sadd.s32 $0x4, s20  }
.Ltmp3:
0x30: {  	v1 =	vld [tilespmem:s21+$0xFFFFFFF0];
	[tilespmem:s19+$0x1020 ss:$0x81] =	vst.msk $0xffff, v0;
	(pc) =	sbr.rel @p2 .LBB1_4-.Ltmp3, $4  }
0x31: {  	v0 =	vld [tilespmem:s21+$0x0];
	[tilespmem:s19+$0x0 ss:$0x81] =	vst.msk $0xffff, v2  }
0x32: {  	s19 =	sshra.s32 s22, $0x2;
	v2 =	vld [tilespmem:s21+$0xFFFFFFE0]  }
0x33: {  	s19 =	sadd.s32 s19, s18  }
0x34: {  	s21 =	sadd.s32 $0x40, s21;
	[tilespmem:s19+$0x1830 ss:$0x81] =	vst.msk $0xffff, v3  }
.Ltmp4:
0x35: {  	(pc) =	sbr.rel @p1 .LBB1_3-.Ltmp4, $4  }
0x36: {  	_ = 	snop  }
0x37: {  	[tilespmem:s19+$0x810 ss:$0x81] =	vst.msk $0xffff, v1  }
0x38: {  	[tilespmem:s19+$0x1020 ss:$0x81] =	vst.msk $0xffff, v0  }
0x39: {  	s18 =	simm.s32 $0x1;
	p2 =	por $0x0, $0x0;
	[tilespmem:s19+$0x0 ss:$0x81] =	vst.msk $0xffff, v2  }
.Ltmp5:
0x3a: {  	(pc) =	sbr.rel .LBB1_7-.Ltmp5, $4  }
0x3b: {  	s14 =	sshll.u32 s14, $0xF  }
0x3c: {  	s14 =	sadd.s32 s3, s14  }
0x3d: {  	s13 =	sadd.s32 s13, s14  }
0x3e: {  	[hbm4b:s13+s9] =	stream.strided.scatter [tilespmem:s15], [sflag:$0x2], $0x4000, s10, s9, $0x20;
	[tilespmem:$0x10100] =	vst v63  }
.LBB1_8:
0x3f: {  	_ =	sfence.sel $0x180000  }
0x40: {  	s2 =	simm.s32 $0x1;
	[bflag:$0x0] =	sbarrier.arrive $0xFFFF  }
0x41: {  	s31 =	simm.s32 $0x2;
	[sflag:s2] =	ssyncpa.u1 $0x1  }
0x42: {  	[sflag:s31] =	ssyncpa.u1 $0x1  }
0x43: {  	p0 =	sne.s32 s0, $0x0;
	_ =	strace $0x9000004A  }
0x44: {  	s0 =	sadd.s32 @!p0 $0x100000, s1;
	[bflag:$0x2] =	sbarrier.arrive $0xFFFF  }
0x45: {  	[sflag:s0] =	ssyncadd.tile.s32 @!p0 $0x1;
	_ =	shalt  }
.Lfunc_end1:
_tile_overlayer_lowered:
.L_overlay_start_2:
0x46: {  	(tag) =	ssettag $0x2  }
0x47: {  	s0 =	rddreg [dreg:$0x0];
	s2 =	stileid.u32  }
0x48: {  	s1 =	rddreg [dreg:$0x1];
	p0 =	sne.s32 s2, $0x0  }
0x49: {  	s3 =	rddreg [dreg:$0x2];
	[bflag:$0x3] =	sbarrier.arrive $0xFFFF;
	s2 =	simm.s32 @!p0 $0x1C01  }
0x4a: {  	[timem:s3], [sflag:s2] =	dma.local @!p0 [hbm:s0], s1  }
0x4b: {  	s0 =	simm.s32 @!p0 $0x1  }
0x4c: {  	_ =	swait.ge @!p0 [sflag:s0], s1  }
0x4d: {  	s1 =	ssub.s32 @!p0 $0x0, s1;
	[sflag:s0] =	ssyncset.done @!p0 $0x0  }
0x4e: {  	[sflag:s0] =	ssyncadd.s32 @!p0 s1  }
0x4f: {  	[bflag:$0x3] =	sbarrier.arrive $0xFFFF  }
0x50: {  	_ =	shalt  }

</sc_bundles>
